<compile_context>
chip_gen: v7x
topology: tpu7x:2x2x1
jax: 0.10.2.dev20260603
libtpu: 0.0.44.dev20260713+nightly
codegen_flags: <defaults>
</compile_context>

<pallas_src>
import functools

import jax
import jax.numpy as jnp
from jax import lax
from jax.experimental import pallas as pl
from jax.experimental.pallas import tpu as pltpu
from jax.experimental.pallas import tpu_sc as plsc

N = 10000
E = 320000
C = 128

NC = 2
NS = 16
NW = NC * NS
EPW = E // NW
K = 80
CH = EPW // K
NP = 10240
RPT = NP // NS
SHIFT = 14
MASK = (1 << SHIFT) - 1

_mesh = plsc.VectorSubcoreMesh(core_axis_name="c", subcore_axis_name="s")


@functools.partial(
    pl.kernel,
    out_type=[
        jax.ShapeDtypeStruct((NP,), jnp.float32),
        jax.ShapeDtypeStruct((NP,), jnp.float32),
    ],
    mesh=_mesh,
    scratch_types=[
        pltpu.VMEM((CH, K), jnp.int32),
        pltpu.VMEM((K,), jnp.float32),
        pltpu.VMEM_SHARED((NP,), jnp.float32),
        pltpu.SemaphoreType.DMA,
        pltpu.SemaphoreType.DMA,
    ],
)
def _hist_kernel(dst_hbm, ones_hbm, zeros_hbm, h0_hbm, h1_hbm,
                 idx_v, ones_v, hist_sh, hsem0, hsem1):
    c = lax.axis_index("c")
    s = lax.axis_index("s")
    w = c * NS + s
    sl = pl.ds(s * RPT, RPT)
    hsem = (hsem0, hsem1)
    pltpu.sync_copy(zeros_hbm, hist_sh.at[sl])
    pltpu.sync_copy(dst_hbm.at[w], idx_v)
    pltpu.sync_copy(ones_hbm, ones_v)
    plsc.subcore_barrier()

    def body(jj, carry):
        pltpu.async_copy(ones_v, hist_sh.at[idx_v.at[2 * jj]], hsem0,
                         add=True)
        pltpu.async_copy(ones_v, hist_sh.at[idx_v.at[2 * jj + 1]], hsem1,
                         add=True)
        for p in range(2):
            pltpu.make_async_copy(
                ones_v, hist_sh.at[idx_v.at[2 * jj + p]], hsem[p]).wait()
        return carry

    lax.fori_loop(0, CH // 2, body, 0)
    pltpu.sync_copy(ones_v, hist_sh.at[idx_v.at[CH - 1]], add=True)
    plsc.subcore_barrier()

    @pl.when(c == 0)
    def _():
        pltpu.sync_copy(hist_sh.at[sl], h0_hbm.at[sl])

    @pl.when(c == 1)
    def _():
        pltpu.sync_copy(hist_sh.at[sl], h1_hbm.at[sl])


@functools.partial(
    pl.kernel,
    out_type=[
        jax.ShapeDtypeStruct((NP, C), jnp.float32),
        jax.ShapeDtypeStruct((NP, C), jnp.float32),
    ],
    mesh=_mesh,
    scratch_types=[
        pltpu.VMEM((EPW,), jnp.int32),
        pltpu.VMEM((K,), jnp.int32),
        pltpu.VMEM((K,), jnp.int32),
        pltpu.VMEM((K,), jnp.int32),
        pltpu.VMEM((K,), jnp.int32),
        pltpu.VMEM((K,), jnp.int32),
        pltpu.VMEM((K,), jnp.int32),
        pltpu.VMEM((K, C), jnp.float32),
        pltpu.VMEM((K, C), jnp.float32),
        pltpu.VMEM((K, C), jnp.float32),
        pltpu.VMEM_SHARED((NP, C), jnp.float32),
        pltpu.SemaphoreType.DMA,
        pltpu.SemaphoreType.DMA,
        pltpu.SemaphoreType.DMA,
    ],
)
def _edge_kernel(hs_hbm, pidx_hbm, zeros_hbm, acc0_hbm, acc1_hbm,
                 pidx_v, su0, su1, su2, du0, du1, du2,
                 rows0_v, rows1_v, rows2_v, acc_sh, g0sem, g1sem, g2sem):
    c = lax.axis_index("c")
    s = lax.axis_index("s")
    w = c * NS + s
    sl = pl.ds(s * RPT, RPT)
    su = (su0, su1, su2)
    du = (du0, du1, du2)
    rows = (rows0_v, rows1_v, rows2_v)
    gsem = (g0sem, g1sem, g2sem)

    @pl.when(c == 0)
    def _():
        pltpu.sync_copy(hs_hbm.at[sl], acc_sh.at[sl])

    @pl.when(c == 1)
    def _():
        pltpu.sync_copy(zeros_hbm, acc_sh.at[sl])

    pltpu.sync_copy(pidx_hbm.at[w], pidx_v)
    plsc.subcore_barrier()

    def unpack(j, p):
        for t in range(K // 16):
            v = pidx_v[pl.ds(j * K + 16 * t, 16)]
            su[p][pl.ds(16 * t, 16)] = lax.shift_right_logical(v, SHIFT)
            du[p][pl.ds(16 * t, 16)] = lax.bitwise_and(v, MASK)

    unpack(0, 0)
    pltpu.async_copy(hs_hbm.at[su0], rows0_v, g0sem)
    unpack(1, 1)
    pltpu.async_copy(hs_hbm.at[su1], rows1_v, g1sem)

    def step(j, r, prefetch=True):
        pltpu.make_async_copy(hs_hbm.at[su[r]], rows[r], gsem[r]).wait()
        if prefetch:
            q = (r + 2) % 3
            unpack(j + 2, q)
            pltpu.async_copy(hs_hbm.at[su[q]], rows[q], gsem[q])
        pltpu.sync_copy(rows[r], acc_sh.at[du[r]], add=True)

    def body(jj, carry):
        step(3 * jj, 0)
        step(3 * jj + 1, 1)
        step(3 * jj + 2, 2)
        return carry

    lax.fori_loop(0, (CH - 2) // 3, body, 0)
    step(CH - 2, 0, prefetch=False)
    step(CH - 1, 1, prefetch=False)

    plsc.subcore_barrier()

    @pl.when(c == 0)
    def _():
        pltpu.sync_copy(acc_sh.at[sl], acc0_hbm.at[sl])

    @pl.when(c == 1)
    def _():
        pltpu.sync_copy(acc_sh.at[sl], acc1_hbm.at[sl])


def _prep_body(x_ref, w_ref, h0_ref, h1_ref, hs_ref, dis_ref):
    deg = h0_ref[...] + h1_ref[...] + 1.0
    dis = lax.rsqrt(deg)
    h = jnp.dot(x_ref[...], w_ref[...], preferred_element_type=jnp.float32)
    hs_ref[...] = h * dis
    dis_ref[...] = dis


def _final_body(a0_ref, a1_ref, dis_ref, b_ref, out_ref):
    acc = a0_ref[...] + a1_ref[...]
    out_ref[...] = jnp.maximum(acc * dis_ref[...] + b_ref[...], 0.0)


_RB = 1000
_RBP = 1024


def _tc_prep(x, W, h0, h1):
    return pl.pallas_call(
        _prep_body,
        grid=(NP // _RBP,),
        in_specs=[
            pl.BlockSpec((_RBP, C), lambda i: (i, 0)),
            pl.BlockSpec((C, C), lambda i: (0, 0)),
            pl.BlockSpec((_RBP, 1), lambda i: (i, 0)),
            pl.BlockSpec((_RBP, 1), lambda i: (i, 0)),
        ],
        out_specs=[
            pl.BlockSpec((_RBP, C), lambda i: (i, 0)),
            pl.BlockSpec((_RBP, 1), lambda i: (i, 0)),
        ],
        out_shape=[
            jax.ShapeDtypeStruct((NP, C), jnp.float32),
            jax.ShapeDtypeStruct((NP, 1), jnp.float32),
        ],
    )(x, W, h0, h1)


def _tc_final(a0, a1, dis, b):
    return pl.pallas_call(
        _final_body,
        grid=(N // _RB,),
        in_specs=[
            pl.BlockSpec((_RB, C), lambda i: (i, 0)),
            pl.BlockSpec((_RB, C), lambda i: (i, 0)),
            pl.BlockSpec((_RB, 1), lambda i: (i, 0)),
            pl.BlockSpec((1, C), lambda i: (0, 0)),
        ],
        out_specs=pl.BlockSpec((_RB, C), lambda i: (i, 0)),
        out_shape=jax.ShapeDtypeStruct((N, C), jnp.float32),
    )(a0, a1, dis, b)


def kernel(x, edge_index, W, b):
    src = edge_index[0]
    dst = edge_index[1]
    dst3d = dst.reshape(NW, CH, K)
    pidx2d = (lax.shift_left(src, SHIFT) | dst).reshape(NW, EPW)
    ones_k = jnp.ones((K,), jnp.float32)
    zeros1 = jnp.zeros((RPT,), jnp.float32)
    zeros128 = jnp.zeros((RPT, C), jnp.float32)

    h0, h1 = _hist_kernel(dst3d, ones_k, zeros1)
    hs, dis = _tc_prep(x, W, h0.reshape(NP, 1), h1.reshape(NP, 1))
    acc0, acc1 = _edge_kernel(hs, pidx2d, zeros128)
    return _tc_final(acc0, acc1, dis, b.reshape(1, C))

# --- scband reference (transcript-rebuilt; emitter-appended) ---
"""Pipeline reference for scband-fair-gcnauto-encoder-15290083573912 (READ-ONLY COPY).

The authoritative reference and input builder live on the scoring server;
editing this copy changes nothing except your own understanding.
"""

import jax, jax.numpy as jnp
import numpy as np

N = 10000
E = 320000
IN_CH = 128
OUT_CH = 128


def setup_inputs(seed: int = 0) -> dict:
    key = jax.random.key(seed)
    k1, k2, k3 = jax.random.split(key, 3)
    x = jax.random.normal(k1, (N, IN_CH), dtype=jnp.float32)
    edge_index = jax.random.randint(k2, (2, E), 0, N, dtype=jnp.int32)
    # GCNConv linear weight (glorot-ish init) and bias
    W = jax.random.normal(k3, (IN_CH, OUT_CH), dtype=jnp.float32) * (1.0 / np.sqrt(IN_CH))
    b = jnp.zeros((OUT_CH,), dtype=jnp.float32)
    return {"x": x, "edge_index": edge_index, "W": W, "b": b}


def reference(x, edge_index, W, b):
    # FairGCNAutoEncoder.forward = encode = GCNConv(x, edge_index) -> ReLU
    n = x.shape[0]
    # add self loops (PyG GCNConv default add_self_loops=True)
    loops = jnp.arange(n, dtype=edge_index.dtype)
    src = jnp.concatenate([edge_index[0], loops])
    dst = jnp.concatenate([edge_index[1], loops])
    # symmetric normalization: deg computed on dst with unit edge weights
    ones = jnp.ones(src.shape[0], dtype=x.dtype)
    deg = jnp.zeros((n,), dtype=x.dtype).at[dst].add(ones)
    deg_inv_sqrt = jnp.where(deg > 0, jax.lax.rsqrt(jnp.maximum(deg, 1e-12)), 0.0)
    norm = deg_inv_sqrt[src] * deg_inv_sqrt[dst]
    # linear transform then gather-message-scatter aggregate
    h = x @ W
    msg = h[src] * norm[:, None]
    out = jnp.zeros((n, W.shape[1]), dtype=x.dtype).at[dst].add(msg)
    out = out + b
    return jax.nn.relu(out)

if __name__ == "__main__":
    import jax
    _d = setup_inputs()
    print(jax.jit(kernel)(*tuple(_d.values())))

</pallas_src>

<mosaic_0001>
#map = affine_map<(d0, d1) -> (0, 0, 0)>
#map1 = affine_map<(d0, d1) -> (0)>
module attributes {stable_mosaic.version = 14 : i64} {
  func.func @_hist_kernel(%arg0: i32, %arg1: i32, %arg2: memref<32x125x80xi32, #tpu.memory_space<hbm>>, %arg3: memref<80xf32, #tpu.memory_space<hbm>>, %arg4: memref<640xf32, #tpu.memory_space<hbm>>, %arg5: memref<10240xf32, #tpu.memory_space<hbm>>, %arg6: memref<10240xf32, #tpu.memory_space<hbm>>, %arg7: memref<125x80xi32, #tpu.memory_space<vmem>>, %arg8: memref<80xf32, #tpu.memory_space<vmem>>, %arg9: memref<10240xf32, #tpu.memory_space<vmem_shared>>, %arg10: memref<!tpu.dma_semaphore, #tpu.memory_space<semaphore_mem>>, %arg11: memref<!tpu.dma_semaphore, #tpu.memory_space<semaphore_mem>>) attributes {dimension_semantics = [#tpu.dimension_semantics<core_parallel>, #tpu.dimension_semantics<subcore_parallel>], iteration_bounds = array<i64: 2, 16>, scalar_prefetch = 0 : i64, scratch_operands = 5 : i64, tpu.core_type = #tpu.core_type<sc_vector_subcore>, window_params = [{transform_indices = #map}, {transform_indices = #map1}, {transform_indices = #map1}, {transform_indices = #map1}, {transform_indices = #map1}]} {
    %mul3A = arith.constant 16 : i32
    %mul3A_0 = arith.muli %arg0, %mul3A : i32
    %add3A = arith.addi %mul3A_0, %arg1 : i32
    %mul3A_1 = arith.constant 640 : i32
    %mul3A_2 = arith.muli %arg1, %mul3A_1 : i32
    "tpu.region"() ({
      %run_scoped3A_16 = tpu.sem_alloc : memref<!tpu.dma_semaphore, #tpu.memory_space<semaphore_mem>>
      %dma_start3A = tpu.memref_slice %arg9[%mul3A_2] : memref<10240xf32, #tpu.memory_space<vmem_shared>> -> memref<640xf32, #tpu.memory_space<vmem_shared>>
      tpu.enqueue_dma source(%arg4 : memref<640xf32, #tpu.memory_space<hbm>>) target(%dma_start3A : memref<640xf32, #tpu.memory_space<vmem_shared>>) target_semaphore(%run_scoped3A_16 : memref<!tpu.dma_semaphore, #tpu.memory_space<semaphore_mem>>)
      %dma_wait3A = tpu.memref_slice %arg9[%mul3A_2] : memref<10240xf32, #tpu.memory_space<vmem_shared>> -> memref<640xf32, #tpu.memory_space<vmem_shared>>
      tpu.wait_dma2 semaphore(%run_scoped3A_16 : memref<!tpu.dma_semaphore, #tpu.memory_space<semaphore_mem>>) src(%arg4 : memref<640xf32, #tpu.memory_space<hbm>>) dst(%dma_wait3A : memref<640xf32, #tpu.memory_space<vmem_shared>>)
      tpu.yield
    }) : () -> ()
    "tpu.region"() ({
      %run_scoped3A_16 = tpu.sem_alloc : memref<!tpu.dma_semaphore, #tpu.memory_space<semaphore_mem>>
      %dma_start3A = arith.constant 0 : i32
      %dma_start3A_17 = arith.constant 0 : i32
      %dma_start3A_18 = tpu.memref_slice %arg2[%add3A, %dma_start3A, %dma_start3A_17] : memref<32x125x80xi32, #tpu.memory_space<hbm>> -> memref<1x125x80xi32, #tpu.memory_space<hbm>>
      %dma_start3A_19 = tpu.memref_squeeze %dma_start3A_18 : memref<1x125x80xi32, #tpu.memory_space<hbm>> -> memref<125x80xi32, #tpu.memory_space<hbm>>
      %dma_start3A_20 = arith.constant 0 : i32
      %dma_start3A_21 = arith.constant 0 : i32
      %dma_start3A_22 = tpu.memref_slice %arg2[%add3A, %dma_start3A_20, %dma_start3A_21] : memref<32x125x80xi32, #tpu.memory_space<hbm>> -> memref<1x125x80xi32, #tpu.memory_space<hbm>>
      %dma_start3A_23 = tpu.memref_squeeze %dma_start3A_22 : memref<1x125x80xi32, #tpu.memory_space<hbm>> -> memref<125x80xi32, #tpu.memory_space<hbm>>
      tpu.enqueue_dma source(%dma_start3A_23 : memref<125x80xi32, #tpu.memory_space<hbm>>) target(%arg7 : memref<125x80xi32, #tpu.memory_space<vmem>>) target_semaphore(%run_scoped3A_16 : memref<!tpu.dma_semaphore, #tpu.memory_space<semaphore_mem>>)
      %dma_wait3A = arith.constant 0 : i32
      %dma_wait3A_24 = arith.constant 0 : i32
      %dma_wait3A_25 = tpu.memref_slice %arg2[%add3A, %dma_wait3A, %dma_wait3A_24] : memref<32x125x80xi32, #tpu.memory_space<hbm>> -> memref<1x125x80xi32, #tpu.memory_space<hbm>>
      %dma_wait3A_26 = tpu.memref_squeeze %dma_wait3A_25 : memref<1x125x80xi32, #tpu.memory_space<hbm>> -> memref<125x80xi32, #tpu.memory_space<hbm>>
      %dma_wait3A_27 = arith.constant 0 : i32
      %dma_wait3A_28 = arith.constant 0 : i32
      %dma_wait3A_29 = tpu.memref_slice %arg2[%add3A, %dma_wait3A_27, %dma_wait3A_28] : memref<32x125x80xi32, #tpu.memory_space<hbm>> -> memref<1x125x80xi32, #tpu.memory_space<hbm>>
      %dma_wait3A_30 = tpu.memref_squeeze %dma_wait3A_29 : memref<1x125x80xi32, #tpu.memory_space<hbm>> -> memref<125x80xi32, #tpu.memory_space<hbm>>
      tpu.wait_dma2 semaphore(%run_scoped3A_16 : memref<!tpu.dma_semaphore, #tpu.memory_space<semaphore_mem>>) src(%dma_wait3A_30 : memref<125x80xi32, #tpu.memory_space<hbm>>) dst(%arg7 : memref<125x80xi32, #tpu.memory_space<vmem>>)
      tpu.yield
    }) : () -> ()
    "tpu.region"() ({
      %run_scoped3A_16 = tpu.sem_alloc : memref<!tpu.dma_semaphore, #tpu.memory_space<semaphore_mem>>
      tpu.enqueue_dma source(%arg3 : memref<80xf32, #tpu.memory_space<hbm>>) target(%arg8 : memref<80xf32, #tpu.memory_space<vmem>>) target_semaphore(%run_scoped3A_16 : memref<!tpu.dma_semaphore, #tpu.memory_space<semaphore_mem>>)
      tpu.wait_dma2 semaphore(%run_scoped3A_16 : memref<!tpu.dma_semaphore, #tpu.memory_space<semaphore_mem>>) src(%arg3 : memref<80xf32, #tpu.memory_space<hbm>>) dst(%arg8 : memref<80xf32, #tpu.memory_space<vmem>>)
      tpu.yield
    }) : () -> ()
    %barrier3A = arith.constant 0 : index
    tpu.barrier barrier_id(%barrier3A)
    %scan3A = arith.constant 0 : i32
    %scan3A_3 = arith.constant 0 : i32
    %scan3A_4 = arith.constant 62 : i32
    %scan3A_5 = arith.addi %scan3A_3, %scan3A_4 : i32
    %scan3A_6 = arith.constant 1 : i32
    scf.for %scan3A_16 = %scan3A_3 to %scan3A_5 step %scan3A_6  : i32 {
      %mul3A_17 = arith.constant 2 : i32
      %mul3A_18 = arith.muli %mul3A_17, %scan3A_16 : i32
      %dma_start3A = arith.constant 0 : i32
      %dma_start3A_19 = tpu.memref_slice %arg7[%mul3A_18, %dma_start3A] : memref<125x80xi32, #tpu.memory_space<vmem>> -> memref<1x80xi32, #tpu.memory_space<vmem>>
      %dma_start3A_20 = tpu.memref_squeeze %dma_start3A_19 : memref<1x80xi32, #tpu.memory_space<vmem>> -> memref<80xi32, #tpu.memory_space<vmem>>
      %dma_start3A_21 = arith.constant 0 : i32
      %dma_start3A_22 = tpu.memref_slice %arg9[%dma_start3A_21] : memref<10240xf32, #tpu.memory_space<vmem_shared>> -> memref<10240xf32, #tpu.memory_space<vmem_shared>>
      tpu.enqueue_indirect_dma source(%arg8 : memref<80xf32, #tpu.memory_space<vmem>>) target(%dma_start3A_22 : memref<10240xf32, #tpu.memory_space<vmem_shared>>) offsets(%dma_start3A_20 : memref<80xi32, #tpu.memory_space<vmem>>) semaphore(%arg10 : memref<!tpu.dma_semaphore, #tpu.memory_space<semaphore_mem>>) {add = true}
      %mul3A_23 = arith.constant 2 : i32
      %mul3A_24 = arith.muli %mul3A_23, %scan3A_16 : i32
      %add3A_25 = arith.constant 1 : i32
      %add3A_26 = arith.addi %mul3A_24, %add3A_25 : i32
      %dma_start3A_27 = arith.constant 0 : i32
      %dma_start3A_28 = tpu.memref_slice %arg7[%add3A_26, %dma_start3A_27] : memref<125x80xi32, #tpu.memory_space<vmem>> -> memref<1x80xi32, #tpu.memory_space<vmem>>
      %dma_start3A_29 = tpu.memref_squeeze %dma_start3A_28 : memref<1x80xi32, #tpu.memory_space<vmem>> -> memref<80xi32, #tpu.memory_space<vmem>>
      %dma_start3A_30 = arith.constant 0 : i32
      %dma_start3A_31 = tpu.memref_slice %arg9[%dma_start3A_30] : memref<10240xf32, #tpu.memory_space<vmem_shared>> -> memref<10240xf32, #tpu.memory_space<vmem_shared>>
      tpu.enqueue_indirect_dma source(%arg8 : memref<80xf32, #tpu.memory_space<vmem>>) target(%dma_start3A_31 : memref<10240xf32, #tpu.memory_space<vmem_shared>>) offsets(%dma_start3A_29 : memref<80xi32, #tpu.memory_space<vmem>>) semaphore(%arg11 : memref<!tpu.dma_semaphore, #tpu.memory_space<semaphore_mem>>) {add = true}
      %mul3A_32 = arith.constant 2 : i32
      %mul3A_33 = arith.muli %mul3A_32, %scan3A_16 : i32
      %add3A_34 = arith.constant 0 : i32
      %add3A_35 = arith.addi %mul3A_33, %add3A_34 : i32
      %dma_wait3A = arith.constant 0 : i32
      %dma_wait3A_36 = tpu.memref_slice %arg7[%add3A_35, %dma_wait3A] : memref<125x80xi32, #tpu.memory_space<vmem>> -> memref<1x80xi32, #tpu.memory_space<vmem>>
      %dma_wait3A_37 = tpu.memref_squeeze %dma_wait3A_36 : memref<1x80xi32, #tpu.memory_space<vmem>> -> memref<80xi32, #tpu.memory_space<vmem>>
      %dma_wait3A_38 = arith.constant 0 : i32
      %dma_wait3A_39 = tpu.memref_slice %arg9[%dma_wait3A_38] : memref<10240xf32, #tpu.memory_space<vmem_shared>> -> memref<10240xf32, #tpu.memory_space<vmem_shared>>
      tpu.wait_indirect_dma semaphore(%arg10 : memref<!tpu.dma_semaphore, #tpu.memory_space<semaphore_mem>>) src(%arg8 : memref<80xf32, #tpu.memory_space<vmem>>) dst(%dma_wait3A_39 : memref<10240xf32, #tpu.memory_space<vmem_shared>>)
      %mul3A_40 = arith.constant 2 : i32
      %mul3A_41 = arith.muli %mul3A_40, %scan3A_16 : i32
      %add3A_42 = arith.constant 1 : i32
      %add3A_43 = arith.addi %mul3A_41, %add3A_42 : i32
      %dma_wait3A_44 = arith.constant 0 : i32
      %dma_wait3A_45 = tpu.memref_slice %arg7[%add3A_43, %dma_wait3A_44] : memref<125x80xi32, #tpu.memory_space<vmem>> -> memref<1x80xi32, #tpu.memory_space<vmem>>
      %dma_wait3A_46 = tpu.memref_squeeze %dma_wait3A_45 : memref<1x80xi32, #tpu.memory_space<vmem>> -> memref<80xi32, #tpu.memory_space<vmem>>
      %dma_wait3A_47 = arith.constant 0 : i32
      %dma_wait3A_48 = tpu.memref_slice %arg9[%dma_wait3A_47] : memref<10240xf32, #tpu.memory_space<vmem_shared>> -> memref<10240xf32, #tpu.memory_space<vmem_shared>>
      tpu.wait_indirect_dma semaphore(%arg11 : memref<!tpu.dma_semaphore, #tpu.memory_space<semaphore_mem>>) src(%arg8 : memref<80xf32, #tpu.memory_space<vmem>>) dst(%dma_wait3A_48 : memref<10240xf32, #tpu.memory_space<vmem_shared>>)
    }
    %scan3A_7 = arith.constant 62 : i32
    %run_scoped3A = arith.constant 124 : i32
    "tpu.region"() ({
      %run_scoped3A_16 = tpu.sem_alloc : memref<!tpu.dma_semaphore, #tpu.memory_space<semaphore_mem>>
      %dma_start3A = arith.constant 0 : i32
      %dma_start3A_17 = tpu.memref_slice %arg7[%run_scoped3A, %dma_start3A] : memref<125x80xi32, #tpu.memory_space<vmem>> -> memref<1x80xi32, #tpu.memory_space<vmem>>
      %dma_start3A_18 = tpu.memref_squeeze %dma_start3A_17 : memref<1x80xi32, #tpu.memory_space<vmem>> -> memref<80xi32, #tpu.memory_space<vmem>>
      %dma_start3A_19 = arith.constant 0 : i32
      %dma_start3A_20 = tpu.memref_slice %arg9[%dma_start3A_19] : memref<10240xf32, #tpu.memory_space<vmem_shared>> -> memref<10240xf32, #tpu.memory_space<vmem_shared>>
      tpu.enqueue_indirect_dma source(%arg8 : memref<80xf32, #tpu.memory_space<vmem>>) target(%dma_start3A_20 : memref<10240xf32, #tpu.memory_space<vmem_shared>>) offsets(%dma_start3A_18 : memref<80xi32, #tpu.memory_space<vmem>>) semaphore(%run_scoped3A_16 : memref<!tpu.dma_semaphore, #tpu.memory_space<semaphore_mem>>) {add = true}
      %dma_wait3A = arith.constant 0 : i32
      %dma_wait3A_21 = tpu.memref_slice %arg7[%run_scoped3A, %dma_wait3A] : memref<125x80xi32, #tpu.memory_space<vmem>> -> memref<1x80xi32, #tpu.memory_space<vmem>>
      %dma_wait3A_22 = tpu.memref_squeeze %dma_wait3A_21 : memref<1x80xi32, #tpu.memory_space<vmem>> -> memref<80xi32, #tpu.memory_space<vmem>>
      %dma_wait3A_23 = arith.constant 0 : i32
      %dma_wait3A_24 = tpu.memref_slice %arg9[%dma_wait3A_23] : memref<10240xf32, #tpu.memory_space<vmem_shared>> -> memref<10240xf32, #tpu.memory_space<vmem_shared>>
      tpu.wait_indirect_dma semaphore(%run_scoped3A_16 : memref<!tpu.dma_semaphore, #tpu.memory_space<semaphore_mem>>) src(%arg8 : memref<80xf32, #tpu.memory_space<vmem>>) dst(%dma_wait3A_24 : memref<10240xf32, #tpu.memory_space<vmem_shared>>)
      tpu.yield
    }) : () -> ()
    %barrier3A_8 = arith.constant 0 : index
    tpu.barrier barrier_id(%barrier3A_8)
    %eq3A = arith.constant 0 : i32
    %eq3A_9 = arith.cmpi eq, %arg0, %eq3A : i32
    %convert_element_type3A = arith.extui %eq3A_9 : i1 to i32
    %cond3A = arith.constant 0 : i32
    %cond3A_10 = arith.cmpi ne, %convert_element_type3A, %cond3A : i32
    scf.if %cond3A_10 {
      "tpu.region"() ({
        %run_scoped3A_16 = tpu.sem_alloc : memref<!tpu.dma_semaphore, #tpu.memory_space<semaphore_mem>>
        %dma_start3A = tpu.memref_slice %arg5[%mul3A_2] : memref<10240xf32, #tpu.memory_space<hbm>> -> memref<640xf32, #tpu.memory_space<hbm>>
        %dma_start3A_17 = tpu.memref_slice %arg9[%mul3A_2] : memref<10240xf32, #tpu.memory_space<vmem_shared>> -> memref<640xf32, #tpu.memory_space<vmem_shared>>
        tpu.enqueue_dma source(%dma_start3A_17 : memref<640xf32, #tpu.memory_space<vmem_shared>>) target(%dma_start3A : memref<640xf32, #tpu.memory_space<hbm>>) target_semaphore(%run_scoped3A_16 : memref<!tpu.dma_semaphore, #tpu.memory_space<semaphore_mem>>)
        %dma_wait3A = tpu.memref_slice %arg5[%mul3A_2] : memref<10240xf32, #tpu.memory_space<hbm>> -> memref<640xf32, #tpu.memory_space<hbm>>
        %dma_wait3A_18 = tpu.memref_slice %arg9[%mul3A_2] : memref<10240xf32, #tpu.memory_space<vmem_shared>> -> memref<640xf32, #tpu.memory_space<vmem_shared>>
        tpu.wait_dma2 semaphore(%run_scoped3A_16 : memref<!tpu.dma_semaphore, #tpu.memory_space<semaphore_mem>>) src(%dma_wait3A_18 : memref<640xf32, #tpu.memory_space<vmem_shared>>) dst(%dma_wait3A : memref<640xf32, #tpu.memory_space<hbm>>)
        tpu.yield
      }) : () -> ()
    } else {
    }
    %eq3A_11 = arith.constant 1 : i32
    %eq3A_12 = arith.cmpi eq, %arg0, %eq3A_11 : i32
    %convert_element_type3A_13 = arith.extui %eq3A_12 : i1 to i32
    %cond3A_14 = arith.constant 0 : i32
    %cond3A_15 = arith.cmpi ne, %convert_element_type3A_13, %cond3A_14 : i32
    scf.if %cond3A_15 {
      "tpu.region"() ({
        %run_scoped3A_16 = tpu.sem_alloc : memref<!tpu.dma_semaphore, #tpu.memory_space<semaphore_mem>>
        %dma_start3A = tpu.memref_slice %arg6[%mul3A_2] : memref<10240xf32, #tpu.memory_space<hbm>> -> memref<640xf32, #tpu.memory_space<hbm>>
        %dma_start3A_17 = tpu.memref_slice %arg9[%mul3A_2] : memref<10240xf32, #tpu.memory_space<vmem_shared>> -> memref<640xf32, #tpu.memory_space<vmem_shared>>
        tpu.enqueue_dma source(%dma_start3A_17 : memref<640xf32, #tpu.memory_space<vmem_shared>>) target(%dma_start3A : memref<640xf32, #tpu.memory_space<hbm>>) target_semaphore(%run_scoped3A_16 : memref<!tpu.dma_semaphore, #tpu.memory_space<semaphore_mem>>)
        %dma_wait3A = tpu.memref_slice %arg6[%mul3A_2] : memref<10240xf32, #tpu.memory_space<hbm>> -> memref<640xf32, #tpu.memory_space<hbm>>
        %dma_wait3A_18 = tpu.memref_slice %arg9[%mul3A_2] : memref<10240xf32, #tpu.memory_space<vmem_shared>> -> memref<640xf32, #tpu.memory_space<vmem_shared>>
        tpu.wait_dma2 semaphore(%run_scoped3A_16 : memref<!tpu.dma_semaphore, #tpu.memory_space<semaphore_mem>>) src(%dma_wait3A_18 : memref<640xf32, #tpu.memory_space<vmem_shared>>) dst(%dma_wait3A : memref<640xf32, #tpu.memory_space<hbm>>)
        tpu.yield
      }) : () -> ()
    } else {
    }
    return
  }
}

#map = affine_map<(d0, d1) -> (0, 0)>
module attributes {stable_mosaic.version = 14 : i64} {
  func.func @_edge_kernel(%arg0: i32, %arg1: i32, %arg2: memref<10240x128xf32, #tpu.memory_space<hbm>>, %arg3: memref<32x10000xi32, #tpu.memory_space<hbm>>, %arg4: memref<640x128xf32, #tpu.memory_space<hbm>>, %arg5: memref<10240x128xf32, #tpu.memory_space<hbm>>, %arg6: memref<10240x128xf32, #tpu.memory_space<hbm>>, %arg7: memref<10000xi32, #tpu.memory_space<vmem>>, %arg8: memref<80xi32, #tpu.memory_space<vmem>>, %arg9: memref<80xi32, #tpu.memory_space<vmem>>, %arg10: memref<80xi32, #tpu.memory_space<vmem>>, %arg11: memref<80xi32, #tpu.memory_space<vmem>>, %arg12: memref<80xi32, #tpu.memory_space<vmem>>, %arg13: memref<80xi32, #tpu.memory_space<vmem>>, %arg14: memref<80x128xf32, #tpu.memory_space<vmem>>, %arg15: memref<80x128xf32, #tpu.memory_space<vmem>>, %arg16: memref<80x128xf32, #tpu.memory_space<vmem>>, %arg17: memref<10240x128xf32, #tpu.memory_space<vmem_shared>>, %arg18: memref<!tpu.dma_semaphore, #tpu.memory_space<semaphore_mem>>, %arg19: memref<!tpu.dma_semaphore, #tpu.memory_space<semaphore_mem>>, %arg20: memref<!tpu.dma_semaphore, #tpu.memory_space<semaphore_mem>>) attributes {dimension_semantics = [#tpu.dimension_semantics<core_parallel>, #tpu.dimension_semantics<subcore_parallel>], iteration_bounds = array<i64: 2, 16>, scalar_prefetch = 0 : i64, scratch_operands = 14 : i64, tpu.core_type = #tpu.core_type<sc_vector_subcore>, window_params = [{transform_indices = #map}, {transform_indices = #map}, {transform_indices = #map}, {transform_indices = #map}, {transform_indices = #map}]} {
    %mul3A = arith.constant 16 : i32
    %mul3A_0 = arith.muli %arg0, %mul3A : i32
    %add3A = arith.addi %mul3A_0, %arg1 : i32
    %mul3A_1 = arith.constant 640 : i32
    %mul3A_2 = arith.muli %arg1, %mul3A_1 : i32
    %eq3A = arith.constant 0 : i32
    %eq3A_3 = arith.cmpi eq, %arg0, %eq3A : i32
    %convert_element_type3A = arith.extui %eq3A_3 : i1 to i32
    %cond3A = arith.constant 0 : i32
    %cond3A_4 = arith.cmpi ne, %convert_element_type3A, %cond3A : i32
    scf.if %cond3A_4 {
      "tpu.region"() ({
        %run_scoped3A = tpu.sem_alloc : memref<!tpu.dma_semaphore, #tpu.memory_space<semaphore_mem>>
        %dma_start3A_202 = arith.constant 0 : i32
        %dma_start3A_203 = tpu.memref_slice %arg17[%mul3A_2, %dma_start3A_202] : memref<10240x128xf32, #tpu.memory_space<vmem_shared>> -> memref<640x128xf32, #tpu.memory_space<vmem_shared>>
        %dma_start3A_204 = arith.constant 0 : i32
        %dma_start3A_205 = tpu.memref_slice %arg2[%mul3A_2, %dma_start3A_204] : memref<10240x128xf32, #tpu.memory_space<hbm>> -> memref<640x128xf32, #tpu.memory_space<hbm>>
        tpu.enqueue_dma source(%dma_start3A_205 : memref<640x128xf32, #tpu.memory_space<hbm>>) target(%dma_start3A_203 : memref<640x128xf32, #tpu.memory_space<vmem_shared>>) target_semaphore(%run_scoped3A : memref<!tpu.dma_semaphore, #tpu.memory_space<semaphore_mem>>)
        %dma_wait3A_206 = arith.constant 0 : i32
        %dma_wait3A_207 = tpu.memref_slice %arg17[%mul3A_2, %dma_wait3A_206] : memref<10240x128xf32, #tpu.memory_space<vmem_shared>> -> memref<640x128xf32, #tpu.memory_space<vmem_shared>>
        %dma_wait3A_208 = arith.constant 0 : i32
        %dma_wait3A_209 = tpu.memref_slice %arg2[%mul3A_2, %dma_wait3A_208] : memref<10240x128xf32, #tpu.memory_space<hbm>> -> memref<640x128xf32, #tpu.memory_space<hbm>>
        tpu.wait_dma2 semaphore(%run_scoped3A : memref<!tpu.dma_semaphore, #tpu.memory_space<semaphore_mem>>) src(%dma_wait3A_209 : memref<640x128xf32, #tpu.memory_space<hbm>>) dst(%dma_wait3A_207 : memref<640x128xf32, #tpu.memory_space<vmem_shared>>)
        tpu.yield
      }) : () -> ()
    } else {
    }
    %eq3A_5 = arith.constant 1 : i32
    %eq3A_6 = arith.cmpi eq, %arg0, %eq3A_5 : i32
    %convert_element_type3A_7 = arith.extui %eq3A_6 : i1 to i32
    %cond3A_8 = arith.constant 0 : i32
    %cond3A_9 = arith.cmpi ne, %convert_element_type3A_7, %cond3A_8 : i32
    scf.if %cond3A_9 {
      "tpu.region"() ({
        %run_scoped3A = tpu.sem_alloc : memref<!tpu.dma_semaphore, #tpu.memory_space<semaphore_mem>>
        %dma_start3A_202 = arith.constant 0 : i32
        %dma_start3A_203 = tpu.memref_slice %arg17[%mul3A_2, %dma_start3A_202] : memref<10240x128xf32, #tpu.memory_space<vmem_shared>> -> memref<640x128xf32, #tpu.memory_space<vmem_shared>>
        tpu.enqueue_dma source(%arg4 : memref<640x128xf32, #tpu.memory_space<hbm>>) target(%dma_start3A_203 : memref<640x128xf32, #tpu.memory_space<vmem_shared>>) target_semaphore(%run_scoped3A : memref<!tpu.dma_semaphore, #tpu.memory_space<semaphore_mem>>)
        %dma_wait3A_204 = arith.constant 0 : i32
        %dma_wait3A_205 = tpu.memref_slice %arg17[%mul3A_2, %dma_wait3A_204] : memref<10240x128xf32, #tpu.memory_space<vmem_shared>> -> memref<640x128xf32, #tpu.memory_space<vmem_shared>>
        tpu.wait_dma2 semaphore(%run_scoped3A : memref<!tpu.dma_semaphore, #tpu.memory_space<semaphore_mem>>) src(%arg4 : memref<640x128xf32, #tpu.memory_space<hbm>>) dst(%dma_wait3A_205 : memref<640x128xf32, #tpu.memory_space<vmem_shared>>)
        tpu.yield
      }) : () -> ()
    } else {
    }
    "tpu.region"() ({
      %run_scoped3A = tpu.sem_alloc : memref<!tpu.dma_semaphore, #tpu.memory_space<semaphore_mem>>
      %dma_start3A_202 = arith.constant 0 : i32
      %dma_start3A_203 = tpu.memref_slice %arg3[%add3A, %dma_start3A_202] : memref<32x10000xi32, #tpu.memory_space<hbm>> -> memref<1x10000xi32, #tpu.memory_space<hbm>>
      %dma_start3A_204 = tpu.memref_squeeze %dma_start3A_203 : memref<1x10000xi32, #tpu.memory_space<hbm>> -> memref<10000xi32, #tpu.memory_space<hbm>>
      %dma_start3A_205 = arith.constant 0 : i32
      %dma_start3A_206 = tpu.memref_slice %arg3[%add3A, %dma_start3A_205] : memref<32x10000xi32, #tpu.memory_space<hbm>> -> memref<1x10000xi32, #tpu.memory_space<hbm>>
      %dma_start3A_207 = tpu.memref_squeeze %dma_start3A_206 : memref<1x10000xi32, #tpu.memory_space<hbm>> -> memref<10000xi32, #tpu.memory_space<hbm>>
      tpu.enqueue_dma source(%dma_start3A_207 : memref<10000xi32, #tpu.memory_space<hbm>>) target(%arg7 : memref<10000xi32, #tpu.memory_space<vmem>>) target_semaphore(%run_scoped3A : memref<!tpu.dma_semaphore, #tpu.memory_space<semaphore_mem>>)
      %dma_wait3A_208 = arith.constant 0 : i32
      %dma_wait3A_209 = tpu.memref_slice %arg3[%add3A, %dma_wait3A_208] : memref<32x10000xi32, #tpu.memory_space<hbm>> -> memref<1x10000xi32, #tpu.memory_space<hbm>>
      %dma_wait3A_210 = tpu.memref_squeeze %dma_wait3A_209 : memref<1x10000xi32, #tpu.memory_space<hbm>> -> memref<10000xi32, #tpu.memory_space<hbm>>
      %dma_wait3A_211 = arith.constant 0 : i32
      %dma_wait3A_212 = tpu.memref_slice %arg3[%add3A, %dma_wait3A_211] : memref<32x10000xi32, #tpu.memory_space<hbm>> -> memref<1x10000xi32, #tpu.memory_space<hbm>>
      %dma_wait3A_213 = tpu.memref_squeeze %dma_wait3A_212 : memref<1x10000xi32, #tpu.memory_space<hbm>> -> memref<10000xi32, #tpu.memory_space<hbm>>
      tpu.wait_dma2 semaphore(%run_scoped3A : memref<!tpu.dma_semaphore, #tpu.memory_space<semaphore_mem>>) src(%dma_wait3A_213 : memref<10000xi32, #tpu.memory_space<hbm>>) dst(%arg7 : memref<10000xi32, #tpu.memory_space<vmem>>)
      tpu.yield
    }) : () -> ()
    %barrier3A = arith.constant 0 : index
    tpu.barrier barrier_id(%barrier3A)
    %get3A = arith.constant 0 : index
    %get3A_10 = tpu.vector_load %arg7[%get3A] {strides = array<i32>} : memref<10000xi32, #tpu.memory_space<vmem>>, vector<16xi32>,
    %get3A_11 = vector.shape_cast %get3A_10 : vector<16xi32> to vector<16xi32>
    %shift_right_logical3A = arith.constant 14 : i32
    %shift_right_logical3A_12 = vector.broadcast %shift_right_logical3A : i32 to vector<16xi32>
    %shift_right_logical3A_13 = arith.shrui %get3A_11, %shift_right_logical3A_12 : vector<16xi32>
    %swap3A = arith.constant 0 : index
    %swap3A_14 = tpu.vector_load %arg8[%swap3A] {strides = array<i32>} : memref<80xi32, #tpu.memory_space<vmem>>, vector<16xi32>,
    %swap3A_15 = vector.shape_cast %swap3A_14 : vector<16xi32> to vector<16xi32>
    %swap3A_16 = vector.shape_cast %shift_right_logical3A_13 : vector<16xi32> to vector<16xi32>
    tpu.vector_store %arg8[%swap3A], %swap3A_16 {strides = array<i32>} : memref<80xi32, #tpu.memory_space<vmem>>, vector<16xi32>,
    %and3A = arith.constant 16383 : i32
    %and3A_17 = vector.broadcast %and3A : i32 to vector<16xi32>
    %and3A_18 = arith.andi %get3A_11, %and3A_17 : vector<16xi32>
    %swap3A_19 = arith.constant 0 : index
    %swap3A_20 = tpu.vector_load %arg11[%swap3A_19] {strides = array<i32>} : memref<80xi32, #tpu.memory_space<vmem>>, vector<16xi32>,
    %swap3A_21 = vector.shape_cast %swap3A_20 : vector<16xi32> to vector<16xi32>
    %swap3A_22 = vector.shape_cast %and3A_18 : vector<16xi32> to vector<16xi32>
    tpu.vector_store %arg11[%swap3A_19], %swap3A_22 {strides = array<i32>} : memref<80xi32, #tpu.memory_space<vmem>>, vector<16xi32>,
    %get3A_23 = arith.constant 16 : index
    %get3A_24 = tpu.vector_load %arg7[%get3A_23] {strides = array<i32>} : memref<10000xi32, #tpu.memory_space<vmem>>, vector<16xi32>,
    %get3A_25 = vector.shape_cast %get3A_24 : vector<16xi32> to vector<16xi32>
    %shift_right_logical3A_26 = arith.constant 14 : i32
    %shift_right_logical3A_27 = vector.broadcast %shift_right_logical3A_26 : i32 to vector<16xi32>
    %shift_right_logical3A_28 = arith.shrui %get3A_25, %shift_right_logical3A_27 : vector<16xi32>
    %swap3A_29 = arith.constant 16 : index
    %swap3A_30 = tpu.vector_load %arg8[%swap3A_29] {strides = array<i32>} : memref<80xi32, #tpu.memory_space<vmem>>, vector<16xi32>,
    %swap3A_31 = vector.shape_cast %swap3A_30 : vector<16xi32> to vector<16xi32>
    %swap3A_32 = vector.shape_cast %shift_right_logical3A_28 : vector<16xi32> to vector<16xi32>
    tpu.vector_store %arg8[%swap3A_29], %swap3A_32 {strides = array<i32>} : memref<80xi32, #tpu.memory_space<vmem>>, vector<16xi32>,
    %and3A_33 = arith.constant 16383 : i32
    %and3A_34 = vector.broadcast %and3A_33 : i32 to vector<16xi32>
    %and3A_35 = arith.andi %get3A_25, %and3A_34 : vector<16xi32>
    %swap3A_36 = arith.constant 16 : index
    %swap3A_37 = tpu.vector_load %arg11[%swap3A_36] {strides = array<i32>} : memref<80xi32, #tpu.memory_space<vmem>>, vector<16xi32>,
    %swap3A_38 = vector.shape_cast %swap3A_37 : vector<16xi32> to vector<16xi32>
    %swap3A_39 = vector.shape_cast %and3A_35 : vector<16xi32> to vector<16xi32>
    tpu.vector_store %arg11[%swap3A_36], %swap3A_39 {strides = array<i32>} : memref<80xi32, #tpu.memory_space<vmem>>, vector<16xi32>,
    %get3A_40 = arith.constant 32 : index
    %get3A_41 = tpu.vector_load %arg7[%get3A_40] {strides = array<i32>} : memref<10000xi32, #tpu.memory_space<vmem>>, vector<16xi32>,
    %get3A_42 = vector.shape_cast %get3A_41 : vector<16xi32> to vector<16xi32>
    %shift_right_logical3A_43 = arith.constant 14 : i32
    %shift_right_logical3A_44 = vector.broadcast %shift_right_logical3A_43 : i32 to vector<16xi32>
    %shift_right_logical3A_45 = arith.shrui %get3A_42, %shift_right_logical3A_44 : vector<16xi32>
    %swap3A_46 = arith.constant 32 : index
    %swap3A_47 = tpu.vector_load %arg8[%swap3A_46] {strides = array<i32>} : memref<80xi32, #tpu.memory_space<vmem>>, vector<16xi32>,
    %swap3A_48 = vector.shape_cast %swap3A_47 : vector<16xi32> to vector<16xi32>
    %swap3A_49 = vector.shape_cast %shift_right_logical3A_45 : vector<16xi32> to vector<16xi32>
    tpu.vector_store %arg8[%swap3A_46], %swap3A_49 {strides = array<i32>} : memref<80xi32, #tpu.memory_space<vmem>>, vector<16xi32>,
    %and3A_50 = arith.constant 16383 : i32
    %and3A_51 = vector.broadcast %and3A_50 : i32 to vector<16xi32>
    %and3A_52 = arith.andi %get3A_42, %and3A_51 : vector<16xi32>
    %swap3A_53 = arith.constant 32 : index
    %swap3A_54 = tpu.vector_load %arg11[%swap3A_53] {strides = array<i32>} : memref<80xi32, #tpu.memory_space<vmem>>, vector<16xi32>,
    %swap3A_55 = vector.shape_cast %swap3A_54 : vector<16xi32> to vector<16xi32>
    %swap3A_56 = vector.shape_cast %and3A_52 : vector<16xi32> to vector<16xi32>
    tpu.vector_store %arg11[%swap3A_53], %swap3A_56 {strides = array<i32>} : memref<80xi32, #tpu.memory_space<vmem>>, vector<16xi32>,
    %get3A_57 = arith.constant 48 : index
    %get3A_58 = tpu.vector_load %arg7[%get3A_57] {strides = array<i32>} : memref<10000xi32, #tpu.memory_space<vmem>>, vector<16xi32>,
    %get3A_59 = vector.shape_cast %get3A_58 : vector<16xi32> to vector<16xi32>
    %shift_right_logical3A_60 = arith.constant 14 : i32
    %shift_right_logical3A_61 = vector.broadcast %shift_right_logical3A_60 : i32 to vector<16xi32>
    %shift_right_logical3A_62 = arith.shrui %get3A_59, %shift_right_logical3A_61 : vector<16xi32>
    %swap3A_63 = arith.constant 48 : index
    %swap3A_64 = tpu.vector_load %arg8[%swap3A_63] {strides = array<i32>} : memref<80xi32, #tpu.memory_space<vmem>>, vector<16xi32>,
    %swap3A_65 = vector.shape_cast %swap3A_64 : vector<16xi32> to vector<16xi32>
    %swap3A_66 = vector.shape_cast %shift_right_logical3A_62 : vector<16xi32> to vector<16xi32>
    tpu.vector_store %arg8[%swap3A_63], %swap3A_66 {strides = array<i32>} : memref<80xi32, #tpu.memory_space<vmem>>, vector<16xi32>,
    %and3A_67 = arith.constant 16383 : i32
    %and3A_68 = vector.broadcast %and3A_67 : i32 to vector<16xi32>
    %and3A_69 = arith.andi %get3A_59, %and3A_68 : vector<16xi32>
    %swap3A_70 = arith.constant 48 : index
    %swap3A_71 = tpu.vector_load %arg11[%swap3A_70] {strides = array<i32>} : memref<80xi32, #tpu.memory_space<vmem>>, vector<16xi32>,
    %swap3A_72 = vector.shape_cast %swap3A_71 : vector<16xi32> to vector<16xi32>
    %swap3A_73 = vector.shape_cast %and3A_69 : vector<16xi32> to vector<16xi32>
    tpu.vector_store %arg11[%swap3A_70], %swap3A_73 {strides = array<i32>} : memref<80xi32, #tpu.memory_space<vmem>>, vector<16xi32>,
    %get3A_74 = arith.constant 64 : index
    %get3A_75 = tpu.vector_load %arg7[%get3A_74] {strides = array<i32>} : memref<10000xi32, #tpu.memory_space<vmem>>, vector<16xi32>,
    %get3A_76 = vector.shape_cast %get3A_75 : vector<16xi32> to vector<16xi32>
    %shift_right_logical3A_77 = arith.constant 14 : i32
    %shift_right_logical3A_78 = vector.broadcast %shift_right_logical3A_77 : i32 to vector<16xi32>
    %shift_right_logical3A_79 = arith.shrui %get3A_76, %shift_right_logical3A_78 : vector<16xi32>
    %swap3A_80 = arith.constant 64 : index
    %swap3A_81 = tpu.vector_load %arg8[%swap3A_80] {strides = array<i32>} : memref<80xi32, #tpu.memory_space<vmem>>, vector<16xi32>,
    %swap3A_82 = vector.shape_cast %swap3A_81 : vector<16xi32> to vector<16xi32>
    %swap3A_83 = vector.shape_cast %shift_right_logical3A_79 : vector<16xi32> to vector<16xi32>
    tpu.vector_store %arg8[%swap3A_80], %swap3A_83 {strides = array<i32>} : memref<80xi32, #tpu.memory_space<vmem>>, vector<16xi32>,
    %and3A_84 = arith.constant 16383 : i32
    %and3A_85 = vector.broadcast %and3A_84 : i32 to vector<16xi32>
    %and3A_86 = arith.andi %get3A_76, %and3A_85 : vector<16xi32>
    %swap3A_87 = arith.constant 64 : index
    %swap3A_88 = tpu.vector_load %arg11[%swap3A_87] {strides = array<i32>} : memref<80xi32, #tpu.memory_space<vmem>>, vector<16xi32>,
    %swap3A_89 = vector.shape_cast %swap3A_88 : vector<16xi32> to vector<16xi32>
    %swap3A_90 = vector.shape_cast %and3A_86 : vector<16xi32> to vector<16xi32>
    tpu.vector_store %arg11[%swap3A_87], %swap3A_90 {strides = array<i32>} : memref<80xi32, #tpu.memory_space<vmem>>, vector<16xi32>,
    %dma_start3A = arith.constant 0 : i32
    %dma_start3A_91 = arith.constant 0 : i32
    %dma_start3A_92 = tpu.memref_slice %arg2[%dma_start3A, %dma_start3A_91] : memref<10240x128xf32, #tpu.memory_space<hbm>> -> memref<10240x128xf32, #tpu.memory_space<hbm>>
    tpu.enqueue_indirect_dma source(%dma_start3A_92 : memref<10240x128xf32, #tpu.memory_space<hbm>>) target(%arg14 : memref<80x128xf32, #tpu.memory_space<vmem>>) offsets(%arg8 : memref<80xi32, #tpu.memory_space<vmem>>) semaphore(%arg18 : memref<!tpu.dma_semaphore, #tpu.memory_space<semaphore_mem>>)
    %get3A_93 = arith.constant 80 : index
    %get3A_94 = tpu.vector_load %arg7[%get3A_93] {strides = array<i32>} : memref<10000xi32, #tpu.memory_space<vmem>>, vector<16xi32>,
    %get3A_95 = vector.shape_cast %get3A_94 : vector<16xi32> to vector<16xi32>
    %shift_right_logical3A_96 = arith.constant 14 : i32
    %shift_right_logical3A_97 = vector.broadcast %shift_right_logical3A_96 : i32 to vector<16xi32>
    %shift_right_logical3A_98 = arith.shrui %get3A_95, %shift_right_logical3A_97 : vector<16xi32>
    %swap3A_99 = arith.constant 0 : index
    %swap3A_100 = tpu.vector_load %arg9[%swap3A_99] {strides = array<i32>} : memref<80xi32, #tpu.memory_space<vmem>>, vector<16xi32>,
    %swap3A_101 = vector.shape_cast %swap3A_100 : vector<16xi32> to vector<16xi32>
    %swap3A_102 = vector.shape_cast %shift_right_logical3A_98 : vector<16xi32> to vector<16xi32>
    tpu.vector_store %arg9[%swap3A_99], %swap3A_102 {strides = array<i32>} : memref<80xi32, #tpu.memory_space<vmem>>, vector<16xi32>,
    %and3A_103 = arith.constant 16383 : i32
    %and3A_104 = vector.broadcast %and3A_103 : i32 to vector<16xi32>
    %and3A_105 = arith.andi %get3A_95, %and3A_104 : vector<16xi32>
    %swap3A_106 = arith.constant 0 : index
    %swap3A_107 = tpu.vector_load %arg12[%swap3A_106] {strides = array<i32>} : memref<80xi32, #tpu.memory_space<vmem>>, vector<16xi32>,
    %swap3A_108 = vector.shape_cast %swap3A_107 : vector<16xi32> to vector<16xi32>
    %swap3A_109 = vector.shape_cast %and3A_105 : vector<16xi32> to vector<16xi32>
    tpu.vector_store %arg12[%swap3A_106], %swap3A_109 {strides = array<i32>} : memref<80xi32, #tpu.memory_space<vmem>>, vector<16xi32>,
    %get3A_110 = arith.constant 96 : index
    %get3A_111 = tpu.vector_load %arg7[%get3A_110] {strides = array<i32>} : memref<10000xi32, #tpu.memory_space<vmem>>, vector<16xi32>,
    %get3A_112 = vector.shape_cast %get3A_111 : vector<16xi32> to vector<16xi32>
    %shift_right_logical3A_113 = arith.constant 14 : i32
    %shift_right_logical3A_114 = vector.broadcast %shift_right_logical3A_113 : i32 to vector<16xi32>
    %shift_right_logical3A_115 = arith.shrui %get3A_112, %shift_right_logical3A_114 : vector<16xi32>
    %swap3A_116 = arith.constant 16 : index
    %swap3A_117 = tpu.vector_load %arg9[%swap3A_116] {strides = array<i32>} : memref<80xi32, #tpu.memory_space<vmem>>, vector<16xi32>,
    %swap3A_118 = vector.shape_cast %swap3A_117 : vector<16xi32> to vector<16xi32>
    %swap3A_119 = vector.shape_cast %shift_right_logical3A_115 : vector<16xi32> to vector<16xi32>
    tpu.vector_store %arg9[%swap3A_116], %swap3A_119 {strides = array<i32>} : memref<80xi32, #tpu.memory_space<vmem>>, vector<16xi32>,
    %and3A_120 = arith.constant 16383 : i32
    %and3A_121 = vector.broadcast %and3A_120 : i32 to vector<16xi32>
    %and3A_122 = arith.andi %get3A_112, %and3A_121 : vector<16xi32>
    %swap3A_123 = arith.constant 16 : index
    %swap3A_124 = tpu.vector_load %arg12[%swap3A_123] {strides = array<i32>} : memref<80xi32, #tpu.memory_space<vmem>>, vector<16xi32>,
    %swap3A_125 = vector.shape_cast %swap3A_124 : vector<16xi32> to vector<16xi32>
    %swap3A_126 = vector.shape_cast %and3A_122 : vector<16xi32> to vector<16xi32>
    tpu.vector_store %arg12[%swap3A_123], %swap3A_126 {strides = array<i32>} : memref<80xi32, #tpu.memory_space<vmem>>, vector<16xi32>,
    %get3A_127 = arith.constant 112 : index
    %get3A_128 = tpu.vector_load %arg7[%get3A_127] {strides = array<i32>} : memref<10000xi32, #tpu.memory_space<vmem>>, vector<16xi32>,
    %get3A_129 = vector.shape_cast %get3A_128 : vector<16xi32> to vector<16xi32>
    %shift_right_logical3A_130 = arith.constant 14 : i32
    %shift_right_logical3A_131 = vector.broadcast %shift_right_logical3A_130 : i32 to vector<16xi32>
    %shift_right_logical3A_132 = arith.shrui %get3A_129, %shift_right_logical3A_131 : vector<16xi32>
    %swap3A_133 = arith.constant 32 : index
    %swap3A_134 = tpu.vector_load %arg9[%swap3A_133] {strides = array<i32>} : memref<80xi32, #tpu.memory_space<vmem>>, vector<16xi32>,
    %swap3A_135 = vector.shape_cast %swap3A_134 : vector<16xi32> to vector<16xi32>
    %swap3A_136 = vector.shape_cast %shift_right_logical3A_132 : vector<16xi32> to vector<16xi32>
    tpu.vector_store %arg9[%swap3A_133], %swap3A_136 {strides = array<i32>} : memref<80xi32, #tpu.memory_space<vmem>>, vector<16xi32>,
    %and3A_137 = arith.constant 16383 : i32
    %and3A_138 = vector.broadcast %and3A_137 : i32 to vector<16xi32>
    %and3A_139 = arith.andi %get3A_129, %and3A_138 : vector<16xi32>
    %swap3A_140 = arith.constant 32 : index
    %swap3A_141 = tpu.vector_load %arg12[%swap3A_140] {strides = array<i32>} : memref<80xi32, #tpu.memory_space<vmem>>, vector<16xi32>,
    %swap3A_142 = vector.shape_cast %swap3A_141 : vector<16xi32> to vector<16xi32>
    %swap3A_143 = vector.shape_cast %and3A_139 : vector<16xi32> to vector<16xi32>
    tpu.vector_store %arg12[%swap3A_140], %swap3A_143 {strides = array<i32>} : memref<80xi32, #tpu.memory_space<vmem>>, vector<16xi32>,
    %get3A_144 = arith.constant 128 : index
    %get3A_145 = tpu.vector_load %arg7[%get3A_144] {strides = array<i32>} : memref<10000xi32, #tpu.memory_space<vmem>>, vector<16xi32>,
    %get3A_146 = vector.shape_cast %get3A_145 : vector<16xi32> to vector<16xi32>
    %shift_right_logical3A_147 = arith.constant 14 : i32
    %shift_right_logical3A_148 = vector.broadcast %shift_right_logical3A_147 : i32 to vector<16xi32>
    %shift_right_logical3A_149 = arith.shrui %get3A_146, %shift_right_logical3A_148 : vector<16xi32>
    %swap3A_150 = arith.constant 48 : index
    %swap3A_151 = tpu.vector_load %arg9[%swap3A_150] {strides = array<i32>} : memref<80xi32, #tpu.memory_space<vmem>>, vector<16xi32>,
    %swap3A_152 = vector.shape_cast %swap3A_151 : vector<16xi32> to vector<16xi32>
    %swap3A_153 = vector.shape_cast %shift_right_logical3A_149 : vector<16xi32> to vector<16xi32>
    tpu.vector_store %arg9[%swap3A_150], %swap3A_153 {strides = array<i32>} : memref<80xi32, #tpu.memory_space<vmem>>, vector<16xi32>,
    %and3A_154 = arith.constant 16383 : i32
    %and3A_155 = vector.broadcast %and3A_154 : i32 to vector<16xi32>
    %and3A_156 = arith.andi %get3A_146, %and3A_155 : vector<16xi32>
    %swap3A_157 = arith.constant 48 : index
    %swap3A_158 = tpu.vector_load %arg12[%swap3A_157] {strides = array<i32>} : memref<80xi32, #tpu.memory_space<vmem>>, vector<16xi32>,
    %swap3A_159 = vector.shape_cast %swap3A_158 : vector<16xi32> to vector<16xi32>
    %swap3A_160 = vector.shape_cast %and3A_156 : vector<16xi32> to vector<16xi32>
    tpu.vector_store %arg12[%swap3A_157], %swap3A_160 {strides = array<i32>} : memref<80xi32, #tpu.memory_space<vmem>>, vector<16xi32>,
    %get3A_161 = arith.constant 144 : index
    %get3A_162 = tpu.vector_load %arg7[%get3A_161] {strides = array<i32>} : memref<10000xi32, #tpu.memory_space<vmem>>, vector<16xi32>,
    %get3A_163 = vector.shape_cast %get3A_162 : vector<16xi32> to vector<16xi32>
    %shift_right_logical3A_164 = arith.constant 14 : i32
    %shift_right_logical3A_165 = vector.broadcast %shift_right_logical3A_164 : i32 to vector<16xi32>
    %shift_right_logical3A_166 = arith.shrui %get3A_163, %shift_right_logical3A_165 : vector<16xi32>
    %swap3A_167 = arith.constant 64 : index
    %swap3A_168 = tpu.vector_load %arg9[%swap3A_167] {strides = array<i32>} : memref<80xi32, #tpu.memory_space<vmem>>, vector<16xi32>,
    %swap3A_169 = vector.shape_cast %swap3A_168 : vector<16xi32> to vector<16xi32>
    %swap3A_170 = vector.shape_cast %shift_right_logical3A_166 : vector<16xi32> to vector<16xi32>
    tpu.vector_store %arg9[%swap3A_167], %swap3A_170 {strides = array<i32>} : memref<80xi32, #tpu.memory_space<vmem>>, vector<16xi32>,
    %and3A_171 = arith.constant 16383 : i32
    %and3A_172 = vector.broadcast %and3A_171 : i32 to vector<16xi32>
    %and3A_173 = arith.andi %get3A_163, %and3A_172 : vector<16xi32>
    %swap3A_174 = arith.constant 64 : index
    %swap3A_175 = tpu.vector_load %arg12[%swap3A_174] {strides = array<i32>} : memref<80xi32, #tpu.memory_space<vmem>>, vector<16xi32>,
    %swap3A_176 = vector.shape_cast %swap3A_175 : vector<16xi32> to vector<16xi32>
    %swap3A_177 = vector.shape_cast %and3A_173 : vector<16xi32> to vector<16xi32>
    tpu.vector_store %arg12[%swap3A_174], %swap3A_177 {strides = array<i32>} : memref<80xi32, #tpu.memory_space<vmem>>, vector<16xi32>,
    %dma_start3A_178 = arith.constant 0 : i32
    %dma_start3A_179 = arith.constant 0 : i32
    %dma_start3A_180 = tpu.memref_slice %arg2[%dma_start3A_178, %dma_start3A_179] : memref<10240x128xf32, #tpu.memory_space<hbm>> -> memref<10240x128xf32, #tpu.memory_space<hbm>>
    tpu.enqueue_indirect_dma source(%dma_start3A_180 : memref<10240x128xf32, #tpu.memory_space<hbm>>) target(%arg15 : memref<80x128xf32, #tpu.memory_space<vmem>>) offsets(%arg9 : memref<80xi32, #tpu.memory_space<vmem>>) semaphore(%arg19 : memref<!tpu.dma_semaphore, #tpu.memory_space<semaphore_mem>>)
    %scan3A = arith.constant 0 : i32
    %scan3A_181 = arith.constant 0 : i32
    %scan3A_182 = arith.constant 41 : i32
    %scan3A_183 = arith.addi %scan3A_181, %scan3A_182 : i32
    %scan3A_184 = arith.constant 1 : i32
    scf.for %scan3A_202 = %scan3A_181 to %scan3A_183 step %scan3A_184  : i32 {
      %mul3A_203 = arith.constant 3 : i32
      %mul3A_204 = arith.muli %mul3A_203, %scan3A_202 : i32
      %dma_wait3A_205 = arith.constant 0 : i32
      %dma_wait3A_206 = arith.constant 0 : i32
      %dma_wait3A_207 = tpu.memref_slice %arg2[%dma_wait3A_205, %dma_wait3A_206] : memref<10240x128xf32, #tpu.memory_space<hbm>> -> memref<10240x128xf32, #tpu.memory_space<hbm>>
      tpu.wait_indirect_dma semaphore(%arg18 : memref<!tpu.dma_semaphore, #tpu.memory_space<semaphore_mem>>) src(%dma_wait3A_207 : memref<10240x128xf32, #tpu.memory_space<hbm>>) dst(%arg14 : memref<80x128xf32, #tpu.memory_space<vmem>>)
      %add3A_208 = arith.constant 2 : i32
      %add3A_209 = arith.addi %mul3A_204, %add3A_208 : i32
      %mul3A_210 = arith.constant 80 : i32
      %mul3A_211 = arith.muli %add3A_209, %mul3A_210 : i32
      %add3A_212 = arith.constant 0 : i32
      %add3A_213 = arith.addi %mul3A_211, %add3A_212 : i32
      %get3A_214 = arith.index_cast %add3A_213 : i32 to index
      %get3A_215 = tpu.vector_load %arg7[%get3A_214] {strides = array<i32>} : memref<10000xi32, #tpu.memory_space<vmem>>, vector<16xi32>,
      %get3A_216 = vector.shape_cast %get3A_215 : vector<16xi32> to vector<16xi32>
      %shift_right_logical3A_217 = arith.constant 14 : i32
      %shift_right_logical3A_218 = vector.broadcast %shift_right_logical3A_217 : i32 to vector<16xi32>
      %shift_right_logical3A_219 = arith.shrui %get3A_216, %shift_right_logical3A_218 : vector<16xi32>
      %swap3A_220 = arith.constant 0 : index
      %swap3A_221 = tpu.vector_load %arg10[%swap3A_220] {strides = array<i32>} : memref<80xi32, #tpu.memory_space<vmem>>, vector<16xi32>,
      %swap3A_222 = vector.shape_cast %swap3A_221 : vector<16xi32> to vector<16xi32>
      %swap3A_223 = vector.shape_cast %shift_right_logical3A_219 : vector<16xi32> to vector<16xi32>
      tpu.vector_store %arg10[%swap3A_220], %swap3A_223 {strides = array<i32>} : memref<80xi32, #tpu.memory_space<vmem>>, vector<16xi32>,
      %and3A_224 = arith.constant 16383 : i32
      %and3A_225 = vector.broadcast %and3A_224 : i32 to vector<16xi32>
      %and3A_226 = arith.andi %get3A_216, %and3A_225 : vector<16xi32>
      %swap3A_227 = arith.constant 0 : index
      %swap3A_228 = tpu.vector_load %arg13[%swap3A_227] {strides = array<i32>} : memref<80xi32, #tpu.memory_space<vmem>>, vector<16xi32>,
      %swap3A_229 = vector.shape_cast %swap3A_228 : vector<16xi32> to vector<16xi32>
      %swap3A_230 = vector.shape_cast %and3A_226 : vector<16xi32> to vector<16xi32>
      tpu.vector_store %arg13[%swap3A_227], %swap3A_230 {strides = array<i32>} : memref<80xi32, #tpu.memory_space<vmem>>, vector<16xi32>,
      %mul3A_231 = arith.constant 80 : i32
      %mul3A_232 = arith.muli %add3A_209, %mul3A_231 : i32
      %add3A_233 = arith.constant 16 : i32
      %add3A_234 = arith.addi %mul3A_232, %add3A_233 : i32
      %get3A_235 = arith.index_cast %add3A_234 : i32 to index
      %get3A_236 = tpu.vector_load %arg7[%get3A_235] {strides = array<i32>} : memref<10000xi32, #tpu.memory_space<vmem>>, vector<16xi32>,
      %get3A_237 = vector.shape_cast %get3A_236 : vector<16xi32> to vector<16xi32>
      %shift_right_logical3A_238 = arith.constant 14 : i32
      %shift_right_logical3A_239 = vector.broadcast %shift_right_logical3A_238 : i32 to vector<16xi32>
      %shift_right_logical3A_240 = arith.shrui %get3A_237, %shift_right_logical3A_239 : vector<16xi32>
      %swap3A_241 = arith.constant 16 : index
      %swap3A_242 = tpu.vector_load %arg10[%swap3A_241] {strides = array<i32>} : memref<80xi32, #tpu.memory_space<vmem>>, vector<16xi32>,
      %swap3A_243 = vector.shape_cast %swap3A_242 : vector<16xi32> to vector<16xi32>
      %swap3A_244 = vector.shape_cast %shift_right_logical3A_240 : vector<16xi32> to vector<16xi32>
      tpu.vector_store %arg10[%swap3A_241], %swap3A_244 {strides = array<i32>} : memref<80xi32, #tpu.memory_space<vmem>>, vector<16xi32>,
      %and3A_245 = arith.constant 16383 : i32
      %and3A_246 = vector.broadcast %and3A_245 : i32 to vector<16xi32>
      %and3A_247 = arith.andi %get3A_237, %and3A_246 : vector<16xi32>
      %swap3A_248 = arith.constant 16 : index
      %swap3A_249 = tpu.vector_load %arg13[%swap3A_248] {strides = array<i32>} : memref<80xi32, #tpu.memory_space<vmem>>, vector<16xi32>,
      %swap3A_250 = vector.shape_cast %swap3A_249 : vector<16xi32> to vector<16xi32>
      %swap3A_251 = vector.shape_cast %and3A_247 : vector<16xi32> to vector<16xi32>
      tpu.vector_store %arg13[%swap3A_248], %swap3A_251 {strides = array<i32>} : memref<80xi32, #tpu.memory_space<vmem>>, vector<16xi32>,
      %mul3A_252 = arith.constant 80 : i32
      %mul3A_253 = arith.muli %add3A_209, %mul3A_252 : i32
      %add3A_254 = arith.constant 32 : i32
      %add3A_255 = arith.addi %mul3A_253, %add3A_254 : i32
      %get3A_256 = arith.index_cast %add3A_255 : i32 to index
      %get3A_257 = tpu.vector_load %arg7[%get3A_256] {strides = array<i32>} : memref<10000xi32, #tpu.memory_space<vmem>>, vector<16xi32>,
      %get3A_258 = vector.shape_cast %get3A_257 : vector<16xi32> to vector<16xi32>
      %shift_right_logical3A_259 = arith.constant 14 : i32
      %shift_right_logical3A_260 = vector.broadcast %shift_right_logical3A_259 : i32 to vector<16xi32>
      %shift_right_logical3A_261 = arith.shrui %get3A_258, %shift_right_logical3A_260 : vector<16xi32>
      %swap3A_262 = arith.constant 32 : index
      %swap3A_263 = tpu.vector_load %arg10[%swap3A_262] {strides = array<i32>} : memref<80xi32, #tpu.memory_space<vmem>>, vector<16xi32>,
      %swap3A_264 = vector.shape_cast %swap3A_263 : vector<16xi32> to vector<16xi32>
      %swap3A_265 = vector.shape_cast %shift_right_logical3A_261 : vector<16xi32> to vector<16xi32>
      tpu.vector_store %arg10[%swap3A_262], %swap3A_265 {strides = array<i32>} : memref<80xi32, #tpu.memory_space<vmem>>, vector<16xi32>,
      %and3A_266 = arith.constant 16383 : i32
      %and3A_267 = vector.broadcast %and3A_266 : i32 to vector<16xi32>
      %and3A_268 = arith.andi %get3A_258, %and3A_267 : vector<16xi32>
      %swap3A_269 = arith.constant 32 : index
      %swap3A_270 = tpu.vector_load %arg13[%swap3A_269] {strides = array<i32>} : memref<80xi32, #tpu.memory_space<vmem>>, vector<16xi32>,
      %swap3A_271 = vector.shape_cast %swap3A_270 : vector<16xi32> to vector<16xi32>
      %swap3A_272 = vector.shape_cast %and3A_268 : vector<16xi32> to vector<16xi32>
      tpu.vector_store %arg13[%swap3A_269], %swap3A_272 {strides = array<i32>} : memref<80xi32, #tpu.memory_space<vmem>>, vector<16xi32>,
      %mul3A_273 = arith.constant 80 : i32
      %mul3A_274 = arith.muli %add3A_209, %mul3A_273 : i32
      %add3A_275 = arith.constant 48 : i32
      %add3A_276 = arith.addi %mul3A_274, %add3A_275 : i32
      %get3A_277 = arith.index_cast %add3A_276 : i32 to index
      %get3A_278 = tpu.vector_load %arg7[%get3A_277] {strides = array<i32>} : memref<10000xi32, #tpu.memory_space<vmem>>, vector<16xi32>,
      %get3A_279 = vector.shape_cast %get3A_278 : vector<16xi32> to vector<16xi32>
      %shift_right_logical3A_280 = arith.constant 14 : i32
      %shift_right_logical3A_281 = vector.broadcast %shift_right_logical3A_280 : i32 to vector<16xi32>
      %shift_right_logical3A_282 = arith.shrui %get3A_279, %shift_right_logical3A_281 : vector<16xi32>
      %swap3A_283 = arith.constant 48 : index
      %swap3A_284 = tpu.vector_load %arg10[%swap3A_283] {strides = array<i32>} : memref<80xi32, #tpu.memory_space<vmem>>, vector<16xi32>,
      %swap3A_285 = vector.shape_cast %swap3A_284 : vector<16xi32> to vector<16xi32>
      %swap3A_286 = vector.shape_cast %shift_right_logical3A_282 : vector<16xi32> to vector<16xi32>
      tpu.vector_store %arg10[%swap3A_283], %swap3A_286 {strides = array<i32>} : memref<80xi32, #tpu.memory_space<vmem>>, vector<16xi32>,
      %and3A_287 = arith.constant 16383 : i32
      %and3A_288 = vector.broadcast %and3A_287 : i32 to vector<16xi32>
      %and3A_289 = arith.andi %get3A_279, %and3A_288 : vector<16xi32>
      %swap3A_290 = arith.constant 48 : index
      %swap3A_291 = tpu.vector_load %arg13[%swap3A_290] {strides = array<i32>} : memref<80xi32, #tpu.memory_space<vmem>>, vector<16xi32>,
      %swap3A_292 = vector.shape_cast %swap3A_291 : vector<16xi32> to vector<16xi32>
      %swap3A_293 = vector.shape_cast %and3A_289 : vector<16xi32> to vector<16xi32>
      tpu.vector_store %arg13[%swap3A_290], %swap3A_293 {strides = array<i32>} : memref<80xi32, #tpu.memory_space<vmem>>, vector<16xi32>,
      %mul3A_294 = arith.constant 80 : i32
      %mul3A_295 = arith.muli %add3A_209, %mul3A_294 : i32
      %add3A_296 = arith.constant 64 : i32
      %add3A_297 = arith.addi %mul3A_295, %add3A_296 : i32
      %get3A_298 = arith.index_cast %add3A_297 : i32 to index
      %get3A_299 = tpu.vector_load %arg7[%get3A_298] {strides = array<i32>} : memref<10000xi32, #tpu.memory_space<vmem>>, vector<16xi32>,
      %get3A_300 = vector.shape_cast %get3A_299 : vector<16xi32> to vector<16xi32>
      %shift_right_logical3A_301 = arith.constant 14 : i32
      %shift_right_logical3A_302 = vector.broadcast %shift_right_logical3A_301 : i32 to vector<16xi32>
      %shift_right_logical3A_303 = arith.shrui %get3A_300, %shift_right_logical3A_302 : vector<16xi32>
      %swap3A_304 = arith.constant 64 : index
      %swap3A_305 = tpu.vector_load %arg10[%swap3A_304] {strides = array<i32>} : memref<80xi32, #tpu.memory_space<vmem>>, vector<16xi32>,
      %swap3A_306 = vector.shape_cast %swap3A_305 : vector<16xi32> to vector<16xi32>
      %swap3A_307 = vector.shape_cast %shift_right_logical3A_303 : vector<16xi32> to vector<16xi32>
      tpu.vector_store %arg10[%swap3A_304], %swap3A_307 {strides = array<i32>} : memref<80xi32, #tpu.memory_space<vmem>>, vector<16xi32>,
      %and3A_308 = arith.constant 16383 : i32
      %and3A_309 = vector.broadcast %and3A_308 : i32 to vector<16xi32>
      %and3A_310 = arith.andi %get3A_300, %and3A_309 : vector<16xi32>
      %swap3A_311 = arith.constant 64 : index
      %swap3A_312 = tpu.vector_load %arg13[%swap3A_311] {strides = array<i32>} : memref<80xi32, #tpu.memory_space<vmem>>, vector<16xi32>,
      %swap3A_313 = vector.shape_cast %swap3A_312 : vector<16xi32> to vector<16xi32>
      %swap3A_314 = vector.shape_cast %and3A_310 : vector<16xi32> to vector<16xi32>
      tpu.vector_store %arg13[%swap3A_311], %swap3A_314 {strides = array<i32>} : memref<80xi32, #tpu.memory_space<vmem>>, vector<16xi32>,
      %dma_start3A_315 = arith.constant 0 : i32
      %dma_start3A_316 = arith.constant 0 : i32
      %dma_start3A_317 = tpu.memref_slice %arg2[%dma_start3A_315, %dma_start3A_316] : memref<10240x128xf32, #tpu.memory_space<hbm>> -> memref<10240x128xf32, #tpu.memory_space<hbm>>
      tpu.enqueue_indirect_dma source(%dma_start3A_317 : memref<10240x128xf32, #tpu.memory_space<hbm>>) target(%arg16 : memref<80x128xf32, #tpu.memory_space<vmem>>) offsets(%arg10 : memref<80xi32, #tpu.memory_space<vmem>>) semaphore(%arg20 : memref<!tpu.dma_semaphore, #tpu.memory_space<semaphore_mem>>)
      "tpu.region"() ({
        %run_scoped3A = tpu.sem_alloc : memref<!tpu.dma_semaphore, #tpu.memory_space<semaphore_mem>>
        %dma_start3A_552 = arith.constant 0 : i32
        %dma_start3A_553 = arith.constant 0 : i32
        %dma_start3A_554 = tpu.memref_slice %arg17[%dma_start3A_552, %dma_start3A_553] : memref<10240x128xf32, #tpu.memory_space<vmem_shared>> -> memref<10240x128xf32, #tpu.memory_space<vmem_shared>>
        tpu.enqueue_indirect_dma source(%arg14 : memref<80x128xf32, #tpu.memory_space<vmem>>) target(%dma_start3A_554 : memref<10240x128xf32, #tpu.memory_space<vmem_shared>>) offsets(%arg11 : memref<80xi32, #tpu.memory_space<vmem>>) semaphore(%run_scoped3A : memref<!tpu.dma_semaphore, #tpu.memory_space<semaphore_mem>>) {add = true}
        %dma_wait3A_555 = arith.constant 0 : i32
        %dma_wait3A_556 = arith.constant 0 : i32
        %dma_wait3A_557 = tpu.memref_slice %arg17[%dma_wait3A_555, %dma_wait3A_556] : memref<10240x128xf32, #tpu.memory_space<vmem_shared>> -> memref<10240x128xf32, #tpu.memory_space<vmem_shared>>
        tpu.wait_indirect_dma semaphore(%run_scoped3A : memref<!tpu.dma_semaphore, #tpu.memory_space<semaphore_mem>>) src(%arg14 : memref<80x128xf32, #tpu.memory_space<vmem>>) dst(%dma_wait3A_557 : memref<10240x128xf32, #tpu.memory_space<vmem_shared>>)
        tpu.yield
      }) : () -> ()
      %mul3A_318 = arith.constant 3 : i32
      %mul3A_319 = arith.muli %mul3A_318, %scan3A_202 : i32
      %add3A_320 = arith.constant 1 : i32
      %add3A_321 = arith.addi %mul3A_319, %add3A_320 : i32
      %dma_wait3A_322 = arith.constant 0 : i32
      %dma_wait3A_323 = arith.constant 0 : i32
      %dma_wait3A_324 = tpu.memref_slice %arg2[%dma_wait3A_322, %dma_wait3A_323] : memref<10240x128xf32, #tpu.memory_space<hbm>> -> memref<10240x128xf32, #tpu.memory_space<hbm>>
      tpu.wait_indirect_dma semaphore(%arg19 : memref<!tpu.dma_semaphore, #tpu.memory_space<semaphore_mem>>) src(%dma_wait3A_324 : memref<10240x128xf32, #tpu.memory_space<hbm>>) dst(%arg15 : memref<80x128xf32, #tpu.memory_space<vmem>>)
      %add3A_325 = arith.constant 2 : i32
      %add3A_326 = arith.addi %add3A_321, %add3A_325 : i32
      %mul3A_327 = arith.constant 80 : i32
      %mul3A_328 = arith.muli %add3A_326, %mul3A_327 : i32
      %add3A_329 = arith.constant 0 : i32
      %add3A_330 = arith.addi %mul3A_328, %add3A_329 : i32
      %get3A_331 = arith.index_cast %add3A_330 : i32 to index
      %get3A_332 = tpu.vector_load %arg7[%get3A_331] {strides = array<i32>} : memref<10000xi32, #tpu.memory_space<vmem>>, vector<16xi32>,
      %get3A_333 = vector.shape_cast %get3A_332 : vector<16xi32> to vector<16xi32>
      %shift_right_logical3A_334 = arith.constant 14 : i32
      %shift_right_logical3A_335 = vector.broadcast %shift_right_logical3A_334 : i32 to vector<16xi32>
      %shift_right_logical3A_336 = arith.shrui %get3A_333, %shift_right_logical3A_335 : vector<16xi32>
      %swap3A_337 = arith.constant 0 : index
      %swap3A_338 = tpu.vector_load %arg8[%swap3A_337] {strides = array<i32>} : memref<80xi32, #tpu.memory_space<vmem>>, vector<16xi32>,
      %swap3A_339 = vector.shape_cast %swap3A_338 : vector<16xi32> to vector<16xi32>
      %swap3A_340 = vector.shape_cast %shift_right_logical3A_336 : vector<16xi32> to vector<16xi32>
      tpu.vector_store %arg8[%swap3A_337], %swap3A_340 {strides = array<i32>} : memref<80xi32, #tpu.memory_space<vmem>>, vector<16xi32>,
      %and3A_341 = arith.constant 16383 : i32
      %and3A_342 = vector.broadcast %and3A_341 : i32 to vector<16xi32>
      %and3A_343 = arith.andi %get3A_333, %and3A_342 : vector<16xi32>
      %swap3A_344 = arith.constant 0 : index
      %swap3A_345 = tpu.vector_load %arg11[%swap3A_344] {strides = array<i32>} : memref<80xi32, #tpu.memory_space<vmem>>, vector<16xi32>,
      %swap3A_346 = vector.shape_cast %swap3A_345 : vector<16xi32> to vector<16xi32>
      %swap3A_347 = vector.shape_cast %and3A_343 : vector<16xi32> to vector<16xi32>
      tpu.vector_store %arg11[%swap3A_344], %swap3A_347 {strides = array<i32>} : memref<80xi32, #tpu.memory_space<vmem>>, vector<16xi32>,
      %mul3A_348 = arith.constant 80 : i32
      %mul3A_349 = arith.muli %add3A_326, %mul3A_348 : i32
      %add3A_350 = arith.constant 16 : i32
      %add3A_351 = arith.addi %mul3A_349, %add3A_350 : i32
      %get3A_352 = arith.index_cast %add3A_351 : i32 to index
      %get3A_353 = tpu.vector_load %arg7[%get3A_352] {strides = array<i32>} : memref<10000xi32, #tpu.memory_space<vmem>>, vector<16xi32>,
      %get3A_354 = vector.shape_cast %get3A_353 : vector<16xi32> to vector<16xi32>
      %shift_right_logical3A_355 = arith.constant 14 : i32
      %shift_right_logical3A_356 = vector.broadcast %shift_right_logical3A_355 : i32 to vector<16xi32>
      %shift_right_logical3A_357 = arith.shrui %get3A_354, %shift_right_logical3A_356 : vector<16xi32>
      %swap3A_358 = arith.constant 16 : index
      %swap3A_359 = tpu.vector_load %arg8[%swap3A_358] {strides = array<i32>} : memref<80xi32, #tpu.memory_space<vmem>>, vector<16xi32>,
      %swap3A_360 = vector.shape_cast %swap3A_359 : vector<16xi32> to vector<16xi32>
      %swap3A_361 = vector.shape_cast %shift_right_logical3A_357 : vector<16xi32> to vector<16xi32>
      tpu.vector_store %arg8[%swap3A_358], %swap3A_361 {strides = array<i32>} : memref<80xi32, #tpu.memory_space<vmem>>, vector<16xi32>,
      %and3A_362 = arith.constant 16383 : i32
      %and3A_363 = vector.broadcast %and3A_362 : i32 to vector<16xi32>
      %and3A_364 = arith.andi %get3A_354, %and3A_363 : vector<16xi32>
      %swap3A_365 = arith.constant 16 : index
      %swap3A_366 = tpu.vector_load %arg11[%swap3A_365] {strides = array<i32>} : memref<80xi32, #tpu.memory_space<vmem>>, vector<16xi32>,
      %swap3A_367 = vector.shape_cast %swap3A_366 : vector<16xi32> to vector<16xi32>
      %swap3A_368 = vector.shape_cast %and3A_364 : vector<16xi32> to vector<16xi32>
      tpu.vector_store %arg11[%swap3A_365], %swap3A_368 {strides = array<i32>} : memref<80xi32, #tpu.memory_space<vmem>>, vector<16xi32>,
      %mul3A_369 = arith.constant 80 : i32
      %mul3A_370 = arith.muli %add3A_326, %mul3A_369 : i32
      %add3A_371 = arith.constant 32 : i32
      %add3A_372 = arith.addi %mul3A_370, %add3A_371 : i32
      %get3A_373 = arith.index_cast %add3A_372 : i32 to index
      %get3A_374 = tpu.vector_load %arg7[%get3A_373] {strides = array<i32>} : memref<10000xi32, #tpu.memory_space<vmem>>, vector<16xi32>,
      %get3A_375 = vector.shape_cast %get3A_374 : vector<16xi32> to vector<16xi32>
      %shift_right_logical3A_376 = arith.constant 14 : i32
      %shift_right_logical3A_377 = vector.broadcast %shift_right_logical3A_376 : i32 to vector<16xi32>
      %shift_right_logical3A_378 = arith.shrui %get3A_375, %shift_right_logical3A_377 : vector<16xi32>
      %swap3A_379 = arith.constant 32 : index
      %swap3A_380 = tpu.vector_load %arg8[%swap3A_379] {strides = array<i32>} : memref<80xi32, #tpu.memory_space<vmem>>, vector<16xi32>,
      %swap3A_381 = vector.shape_cast %swap3A_380 : vector<16xi32> to vector<16xi32>
      %swap3A_382 = vector.shape_cast %shift_right_logical3A_378 : vector<16xi32> to vector<16xi32>
      tpu.vector_store %arg8[%swap3A_379], %swap3A_382 {strides = array<i32>} : memref<80xi32, #tpu.memory_space<vmem>>, vector<16xi32>,
      %and3A_383 = arith.constant 16383 : i32
      %and3A_384 = vector.broadcast %and3A_383 : i32 to vector<16xi32>
      %and3A_385 = arith.andi %get3A_375, %and3A_384 : vector<16xi32>
      %swap3A_386 = arith.constant 32 : index
      %swap3A_387 = tpu.vector_load %arg11[%swap3A_386] {strides = array<i32>} : memref<80xi32, #tpu.memory_space<vmem>>, vector<16xi32>,
      %swap3A_388 = vector.shape_cast %swap3A_387 : vector<16xi32> to vector<16xi32>
      %swap3A_389 = vector.shape_cast %and3A_385 : vector<16xi32> to vector<16xi32>
      tpu.vector_store %arg11[%swap3A_386], %swap3A_389 {strides = array<i32>} : memref<80xi32, #tpu.memory_space<vmem>>, vector<16xi32>,
      %mul3A_390 = arith.constant 80 : i32
      %mul3A_391 = arith.muli %add3A_326, %mul3A_390 : i32
      %add3A_392 = arith.constant 48 : i32
      %add3A_393 = arith.addi %mul3A_391, %add3A_392 : i32
      %get3A_394 = arith.index_cast %add3A_393 : i32 to index
      %get3A_395 = tpu.vector_load %arg7[%get3A_394] {strides = array<i32>} : memref<10000xi32, #tpu.memory_space<vmem>>, vector<16xi32>,
      %get3A_396 = vector.shape_cast %get3A_395 : vector<16xi32> to vector<16xi32>
      %shift_right_logical3A_397 = arith.constant 14 : i32
      %shift_right_logical3A_398 = vector.broadcast %shift_right_logical3A_397 : i32 to vector<16xi32>
      %shift_right_logical3A_399 = arith.shrui %get3A_396, %shift_right_logical3A_398 : vector<16xi32>
      %swap3A_400 = arith.constant 48 : index
      %swap3A_401 = tpu.vector_load %arg8[%swap3A_400] {strides = array<i32>} : memref<80xi32, #tpu.memory_space<vmem>>, vector<16xi32>,
      %swap3A_402 = vector.shape_cast %swap3A_401 : vector<16xi32> to vector<16xi32>
      %swap3A_403 = vector.shape_cast %shift_right_logical3A_399 : vector<16xi32> to vector<16xi32>
      tpu.vector_store %arg8[%swap3A_400], %swap3A_403 {strides = array<i32>} : memref<80xi32, #tpu.memory_space<vmem>>, vector<16xi32>,
      %and3A_404 = arith.constant 16383 : i32
      %and3A_405 = vector.broadcast %and3A_404 : i32 to vector<16xi32>
      %and3A_406 = arith.andi %get3A_396, %and3A_405 : vector<16xi32>
      %swap3A_407 = arith.constant 48 : index
      %swap3A_408 = tpu.vector_load %arg11[%swap3A_407] {strides = array<i32>} : memref<80xi32, #tpu.memory_space<vmem>>, vector<16xi32>,
      %swap3A_409 = vector.shape_cast %swap3A_408 : vector<16xi32> to vector<16xi32>
      %swap3A_410 = vector.shape_cast %and3A_406 : vector<16xi32> to vector<16xi32>
      tpu.vector_store %arg11[%swap3A_407], %swap3A_410 {strides = array<i32>} : memref<80xi32, #tpu.memory_space<vmem>>, vector<16xi32>,
      %mul3A_411 = arith.constant 80 : i32
      %mul3A_412 = arith.muli %add3A_326, %mul3A_411 : i32
      %add3A_413 = arith.constant 64 : i32
      %add3A_414 = arith.addi %mul3A_412, %add3A_413 : i32
      %get3A_415 = arith.index_cast %add3A_414 : i32 to index
      %get3A_416 = tpu.vector_load %arg7[%get3A_415] {strides = array<i32>} : memref<10000xi32, #tpu.memory_space<vmem>>, vector<16xi32>,
      %get3A_417 = vector.shape_cast %get3A_416 : vector<16xi32> to vector<16xi32>
      %shift_right_logical3A_418 = arith.constant 14 : i32
      %shift_right_logical3A_419 = vector.broadcast %shift_right_logical3A_418 : i32 to vector<16xi32>
      %shift_right_logical3A_420 = arith.shrui %get3A_417, %shift_right_logical3A_419 : vector<16xi32>
      %swap3A_421 = arith.constant 64 : index
      %swap3A_422 = tpu.vector_load %arg8[%swap3A_421] {strides = array<i32>} : memref<80xi32, #tpu.memory_space<vmem>>, vector<16xi32>,
      %swap3A_423 = vector.shape_cast %swap3A_422 : vector<16xi32> to vector<16xi32>
      %swap3A_424 = vector.shape_cast %shift_right_logical3A_420 : vector<16xi32> to vector<16xi32>
      tpu.vector_store %arg8[%swap3A_421], %swap3A_424 {strides = array<i32>} : memref<80xi32, #tpu.memory_space<vmem>>, vector<16xi32>,
      %and3A_425 = arith.constant 16383 : i32
      %and3A_426 = vector.broadcast %and3A_425 : i32 to vector<16xi32>
      %and3A_427 = arith.andi %get3A_417, %and3A_426 : vector<16xi32>
      %swap3A_428 = arith.constant 64 : index
      %swap3A_429 = tpu.vector_load %arg11[%swap3A_428] {strides = array<i32>} : memref<80xi32, #tpu.memory_space<vmem>>, vector<16xi32>,
      %swap3A_430 = vector.shape_cast %swap3A_429 : vector<16xi32> to vector<16xi32>
      %swap3A_431 = vector.shape_cast %and3A_427 : vector<16xi32> to vector<16xi32>
      tpu.vector_store %arg11[%swap3A_428], %swap3A_431 {strides = array<i32>} : memref<80xi32, #tpu.memory_space<vmem>>, vector<16xi32>,
      %dma_start3A_432 = arith.constant 0 : i32
      %dma_start3A_433 = arith.constant 0 : i32
      %dma_start3A_434 = tpu.memref_slice %arg2[%dma_start3A_432, %dma_start3A_433] : memref<10240x128xf32, #tpu.memory_space<hbm>> -> memref<10240x128xf32, #tpu.memory_space<hbm>>
      tpu.enqueue_indirect_dma source(%dma_start3A_434 : memref<10240x128xf32, #tpu.memory_space<hbm>>) target(%arg14 : memref<80x128xf32, #tpu.memory_space<vmem>>) offsets(%arg8 : memref<80xi32, #tpu.memory_space<vmem>>) semaphore(%arg18 : memref<!tpu.dma_semaphore, #tpu.memory_space<semaphore_mem>>)
      "tpu.region"() ({
        %run_scoped3A = tpu.sem_alloc : memref<!tpu.dma_semaphore, #tpu.memory_space<semaphore_mem>>
        %dma_start3A_552 = arith.constant 0 : i32
        %dma_start3A_553 = arith.constant 0 : i32
        %dma_start3A_554 = tpu.memref_slice %arg17[%dma_start3A_552, %dma_start3A_553] : memref<10240x128xf32, #tpu.memory_space<vmem_shared>> -> memref<10240x128xf32, #tpu.memory_space<vmem_shared>>
        tpu.enqueue_indirect_dma source(%arg15 : memref<80x128xf32, #tpu.memory_space<vmem>>) target(%dma_start3A_554 : memref<10240x128xf32, #tpu.memory_space<vmem_shared>>) offsets(%arg12 : memref<80xi32, #tpu.memory_space<vmem>>) semaphore(%run_scoped3A : memref<!tpu.dma_semaphore, #tpu.memory_space<semaphore_mem>>) {add = true}
        %dma_wait3A_555 = arith.constant 0 : i32
        %dma_wait3A_556 = arith.constant 0 : i32
        %dma_wait3A_557 = tpu.memref_slice %arg17[%dma_wait3A_555, %dma_wait3A_556] : memref<10240x128xf32, #tpu.memory_space<vmem_shared>> -> memref<10240x128xf32, #tpu.memory_space<vmem_shared>>
        tpu.wait_indirect_dma semaphore(%run_scoped3A : memref<!tpu.dma_semaphore, #tpu.memory_space<semaphore_mem>>) src(%arg15 : memref<80x128xf32, #tpu.memory_space<vmem>>) dst(%dma_wait3A_557 : memref<10240x128xf32, #tpu.memory_space<vmem_shared>>)
        tpu.yield
      }) : () -> ()
      %mul3A_435 = arith.constant 3 : i32
      %mul3A_436 = arith.muli %mul3A_435, %scan3A_202 : i32
      %add3A_437 = arith.constant 2 : i32
      %add3A_438 = arith.addi %mul3A_436, %add3A_437 : i32
      %dma_wait3A_439 = arith.constant 0 : i32
      %dma_wait3A_440 = arith.constant 0 : i32
      %dma_wait3A_441 = tpu.memref_slice %arg2[%dma_wait3A_439, %dma_wait3A_440] : memref<10240x128xf32, #tpu.memory_space<hbm>> -> memref<10240x128xf32, #tpu.memory_space<hbm>>
      tpu.wait_indirect_dma semaphore(%arg20 : memref<!tpu.dma_semaphore, #tpu.memory_space<semaphore_mem>>) src(%dma_wait3A_441 : memref<10240x128xf32, #tpu.memory_space<hbm>>) dst(%arg16 : memref<80x128xf32, #tpu.memory_space<vmem>>)
      %add3A_442 = arith.constant 2 : i32
      %add3A_443 = arith.addi %add3A_438, %add3A_442 : i32
      %mul3A_444 = arith.constant 80 : i32
      %mul3A_445 = arith.muli %add3A_443, %mul3A_444 : i32
      %add3A_446 = arith.constant 0 : i32
      %add3A_447 = arith.addi %mul3A_445, %add3A_446 : i32
      %get3A_448 = arith.index_cast %add3A_447 : i32 to index
      %get3A_449 = tpu.vector_load %arg7[%get3A_448] {strides = array<i32>} : memref<10000xi32, #tpu.memory_space<vmem>>, vector<16xi32>,
      %get3A_450 = vector.shape_cast %get3A_449 : vector<16xi32> to vector<16xi32>
      %shift_right_logical3A_451 = arith.constant 14 : i32
      %shift_right_logical3A_452 = vector.broadcast %shift_right_logical3A_451 : i32 to vector<16xi32>
      %shift_right_logical3A_453 = arith.shrui %get3A_450, %shift_right_logical3A_452 : vector<16xi32>
      %swap3A_454 = arith.constant 0 : index
      %swap3A_455 = tpu.vector_load %arg9[%swap3A_454] {strides = array<i32>} : memref<80xi32, #tpu.memory_space<vmem>>, vector<16xi32>,
      %swap3A_456 = vector.shape_cast %swap3A_455 : vector<16xi32> to vector<16xi32>
      %swap3A_457 = vector.shape_cast %shift_right_logical3A_453 : vector<16xi32> to vector<16xi32>
      tpu.vector_store %arg9[%swap3A_454], %swap3A_457 {strides = array<i32>} : memref<80xi32, #tpu.memory_space<vmem>>, vector<16xi32>,
      %and3A_458 = arith.constant 16383 : i32
      %and3A_459 = vector.broadcast %and3A_458 : i32 to vector<16xi32>
      %and3A_460 = arith.andi %get3A_450, %and3A_459 : vector<16xi32>
      %swap3A_461 = arith.constant 0 : index
      %swap3A_462 = tpu.vector_load %arg12[%swap3A_461] {strides = array<i32>} : memref<80xi32, #tpu.memory_space<vmem>>, vector<16xi32>,
      %swap3A_463 = vector.shape_cast %swap3A_462 : vector<16xi32> to vector<16xi32>
      %swap3A_464 = vector.shape_cast %and3A_460 : vector<16xi32> to vector<16xi32>
      tpu.vector_store %arg12[%swap3A_461], %swap3A_464 {strides = array<i32>} : memref<80xi32, #tpu.memory_space<vmem>>, vector<16xi32>,
      %mul3A_465 = arith.constant 80 : i32
      %mul3A_466 = arith.muli %add3A_443, %mul3A_465 : i32
      %add3A_467 = arith.constant 16 : i32
      %add3A_468 = arith.addi %mul3A_466, %add3A_467 : i32
      %get3A_469 = arith.index_cast %add3A_468 : i32 to index
      %get3A_470 = tpu.vector_load %arg7[%get3A_469] {strides = array<i32>} : memref<10000xi32, #tpu.memory_space<vmem>>, vector<16xi32>,
      %get3A_471 = vector.shape_cast %get3A_470 : vector<16xi32> to vector<16xi32>
      %shift_right_logical3A_472 = arith.constant 14 : i32
      %shift_right_logical3A_473 = vector.broadcast %shift_right_logical3A_472 : i32 to vector<16xi32>
      %shift_right_logical3A_474 = arith.shrui %get3A_471, %shift_right_logical3A_473 : vector<16xi32>
      %swap3A_475 = arith.constant 16 : index
      %swap3A_476 = tpu.vector_load %arg9[%swap3A_475] {strides = array<i32>} : memref<80xi32, #tpu.memory_space<vmem>>, vector<16xi32>,
      %swap3A_477 = vector.shape_cast %swap3A_476 : vector<16xi32> to vector<16xi32>
      %swap3A_478 = vector.shape_cast %shift_right_logical3A_474 : vector<16xi32> to vector<16xi32>
      tpu.vector_store %arg9[%swap3A_475], %swap3A_478 {strides = array<i32>} : memref<80xi32, #tpu.memory_space<vmem>>, vector<16xi32>,
      %and3A_479 = arith.constant 16383 : i32
      %and3A_480 = vector.broadcast %and3A_479 : i32 to vector<16xi32>
      %and3A_481 = arith.andi %get3A_471, %and3A_480 : vector<16xi32>
      %swap3A_482 = arith.constant 16 : index
      %swap3A_483 = tpu.vector_load %arg12[%swap3A_482] {strides = array<i32>} : memref<80xi32, #tpu.memory_space<vmem>>, vector<16xi32>,
      %swap3A_484 = vector.shape_cast %swap3A_483 : vector<16xi32> to vector<16xi32>
      %swap3A_485 = vector.shape_cast %and3A_481 : vector<16xi32> to vector<16xi32>
      tpu.vector_store %arg12[%swap3A_482], %swap3A_485 {strides = array<i32>} : memref<80xi32, #tpu.memory_space<vmem>>, vector<16xi32>,
      %mul3A_486 = arith.constant 80 : i32
      %mul3A_487 = arith.muli %add3A_443, %mul3A_486 : i32
      %add3A_488 = arith.constant 32 : i32
      %add3A_489 = arith.addi %mul3A_487, %add3A_488 : i32
      %get3A_490 = arith.index_cast %add3A_489 : i32 to index
      %get3A_491 = tpu.vector_load %arg7[%get3A_490] {strides = array<i32>} : memref<10000xi32, #tpu.memory_space<vmem>>, vector<16xi32>,
      %get3A_492 = vector.shape_cast %get3A_491 : vector<16xi32> to vector<16xi32>
      %shift_right_logical3A_493 = arith.constant 14 : i32
      %shift_right_logical3A_494 = vector.broadcast %shift_right_logical3A_493 : i32 to vector<16xi32>
      %shift_right_logical3A_495 = arith.shrui %get3A_492, %shift_right_logical3A_494 : vector<16xi32>
      %swap3A_496 = arith.constant 32 : index
      %swap3A_497 = tpu.vector_load %arg9[%swap3A_496] {strides = array<i32>} : memref<80xi32, #tpu.memory_space<vmem>>, vector<16xi32>,
      %swap3A_498 = vector.shape_cast %swap3A_497 : vector<16xi32> to vector<16xi32>
      %swap3A_499 = vector.shape_cast %shift_right_logical3A_495 : vector<16xi32> to vector<16xi32>
      tpu.vector_store %arg9[%swap3A_496], %swap3A_499 {strides = array<i32>} : memref<80xi32, #tpu.memory_space<vmem>>, vector<16xi32>,
      %and3A_500 = arith.constant 16383 : i32
      %and3A_501 = vector.broadcast %and3A_500 : i32 to vector<16xi32>
      %and3A_502 = arith.andi %get3A_492, %and3A_501 : vector<16xi32>
      %swap3A_503 = arith.constant 32 : index
      %swap3A_504 = tpu.vector_load %arg12[%swap3A_503] {strides = array<i32>} : memref<80xi32, #tpu.memory_space<vmem>>, vector<16xi32>,
      %swap3A_505 = vector.shape_cast %swap3A_504 : vector<16xi32> to vector<16xi32>
      %swap3A_506 = vector.shape_cast %and3A_502 : vector<16xi32> to vector<16xi32>
      tpu.vector_store %arg12[%swap3A_503], %swap3A_506 {strides = array<i32>} : memref<80xi32, #tpu.memory_space<vmem>>, vector<16xi32>,
      %mul3A_507 = arith.constant 80 : i32
      %mul3A_508 = arith.muli %add3A_443, %mul3A_507 : i32
      %add3A_509 = arith.constant 48 : i32
      %add3A_510 = arith.addi %mul3A_508, %add3A_509 : i32
      %get3A_511 = arith.index_cast %add3A_510 : i32 to index
      %get3A_512 = tpu.vector_load %arg7[%get3A_511] {strides = array<i32>} : memref<10000xi32, #tpu.memory_space<vmem>>, vector<16xi32>,
      %get3A_513 = vector.shape_cast %get3A_512 : vector<16xi32> to vector<16xi32>
      %shift_right_logical3A_514 = arith.constant 14 : i32
      %shift_right_logical3A_515 = vector.broadcast %shift_right_logical3A_514 : i32 to vector<16xi32>
      %shift_right_logical3A_516 = arith.shrui %get3A_513, %shift_right_logical3A_515 : vector<16xi32>
      %swap3A_517 = arith.constant 48 : index
      %swap3A_518 = tpu.vector_load %arg9[%swap3A_517] {strides = array<i32>} : memref<80xi32, #tpu.memory_space<vmem>>, vector<16xi32>,
      %swap3A_519 = vector.shape_cast %swap3A_518 : vector<16xi32> to vector<16xi32>
      %swap3A_520 = vector.shape_cast %shift_right_logical3A_516 : vector<16xi32> to vector<16xi32>
      tpu.vector_store %arg9[%swap3A_517], %swap3A_520 {strides = array<i32>} : memref<80xi32, #tpu.memory_space<vmem>>, vector<16xi32>,
      %and3A_521 = arith.constant 16383 : i32
      %and3A_522 = vector.broadcast %and3A_521 : i32 to vector<16xi32>
      %and3A_523 = arith.andi %get3A_513, %and3A_522 : vector<16xi32>
      %swap3A_524 = arith.constant 48 : index
      %swap3A_525 = tpu.vector_load %arg12[%swap3A_524] {strides = array<i32>} : memref<80xi32, #tpu.memory_space<vmem>>, vector<16xi32>,
      %swap3A_526 = vector.shape_cast %swap3A_525 : vector<16xi32> to vector<16xi32>
      %swap3A_527 = vector.shape_cast %and3A_523 : vector<16xi32> to vector<16xi32>
      tpu.vector_store %arg12[%swap3A_524], %swap3A_527 {strides = array<i32>} : memref<80xi32, #tpu.memory_space<vmem>>, vector<16xi32>,
      %mul3A_528 = arith.constant 80 : i32
      %mul3A_529 = arith.muli %add3A_443, %mul3A_528 : i32
      %add3A_530 = arith.constant 64 : i32
      %add3A_531 = arith.addi %mul3A_529, %add3A_530 : i32
      %get3A_532 = arith.index_cast %add3A_531 : i32 to index
      %get3A_533 = tpu.vector_load %arg7[%get3A_532] {strides = array<i32>} : memref<10000xi32, #tpu.memory_space<vmem>>, vector<16xi32>,
      %get3A_534 = vector.shape_cast %get3A_533 : vector<16xi32> to vector<16xi32>
      %shift_right_logical3A_535 = arith.constant 14 : i32
      %shift_right_logical3A_536 = vector.broadcast %shift_right_logical3A_535 : i32 to vector<16xi32>
      %shift_right_logical3A_537 = arith.shrui %get3A_534, %shift_right_logical3A_536 : vector<16xi32>
      %swap3A_538 = arith.constant 64 : index
      %swap3A_539 = tpu.vector_load %arg9[%swap3A_538] {strides = array<i32>} : memref<80xi32, #tpu.memory_space<vmem>>, vector<16xi32>,
      %swap3A_540 = vector.shape_cast %swap3A_539 : vector<16xi32> to vector<16xi32>
      %swap3A_541 = vector.shape_cast %shift_right_logical3A_537 : vector<16xi32> to vector<16xi32>
      tpu.vector_store %arg9[%swap3A_538], %swap3A_541 {strides = array<i32>} : memref<80xi32, #tpu.memory_space<vmem>>, vector<16xi32>,
      %and3A_542 = arith.constant 16383 : i32
      %and3A_543 = vector.broadcast %and3A_542 : i32 to vector<16xi32>
      %and3A_544 = arith.andi %get3A_534, %and3A_543 : vector<16xi32>
      %swap3A_545 = arith.constant 64 : index
      %swap3A_546 = tpu.vector_load %arg12[%swap3A_545] {strides = array<i32>} : memref<80xi32, #tpu.memory_space<vmem>>, vector<16xi32>,
      %swap3A_547 = vector.shape_cast %swap3A_546 : vector<16xi32> to vector<16xi32>
      %swap3A_548 = vector.shape_cast %and3A_544 : vector<16xi32> to vector<16xi32>
      tpu.vector_store %arg12[%swap3A_545], %swap3A_548 {strides = array<i32>} : memref<80xi32, #tpu.memory_space<vmem>>, vector<16xi32>,
      %dma_start3A_549 = arith.constant 0 : i32
      %dma_start3A_550 = arith.constant 0 : i32
      %dma_start3A_551 = tpu.memref_slice %arg2[%dma_start3A_549, %dma_start3A_550] : memref<10240x128xf32, #tpu.memory_space<hbm>> -> memref<10240x128xf32, #tpu.memory_space<hbm>>
      tpu.enqueue_indirect_dma source(%dma_start3A_551 : memref<10240x128xf32, #tpu.memory_space<hbm>>) target(%arg15 : memref<80x128xf32, #tpu.memory_space<vmem>>) offsets(%arg9 : memref<80xi32, #tpu.memory_space<vmem>>) semaphore(%arg19 : memref<!tpu.dma_semaphore, #tpu.memory_space<semaphore_mem>>)
      "tpu.region"() ({
        %run_scoped3A = tpu.sem_alloc : memref<!tpu.dma_semaphore, #tpu.memory_space<semaphore_mem>>
        %dma_start3A_552 = arith.constant 0 : i32
        %dma_start3A_553 = arith.constant 0 : i32
        %dma_start3A_554 = tpu.memref_slice %arg17[%dma_start3A_552, %dma_start3A_553] : memref<10240x128xf32, #tpu.memory_space<vmem_shared>> -> memref<10240x128xf32, #tpu.memory_space<vmem_shared>>
        tpu.enqueue_indirect_dma source(%arg16 : memref<80x128xf32, #tpu.memory_space<vmem>>) target(%dma_start3A_554 : memref<10240x128xf32, #tpu.memory_space<vmem_shared>>) offsets(%arg13 : memref<80xi32, #tpu.memory_space<vmem>>) semaphore(%run_scoped3A : memref<!tpu.dma_semaphore, #tpu.memory_space<semaphore_mem>>) {add = true}
        %dma_wait3A_555 = arith.constant 0 : i32
        %dma_wait3A_556 = arith.constant 0 : i32
        %dma_wait3A_557 = tpu.memref_slice %arg17[%dma_wait3A_555, %dma_wait3A_556] : memref<10240x128xf32, #tpu.memory_space<vmem_shared>> -> memref<10240x128xf32, #tpu.memory_space<vmem_shared>>
        tpu.wait_indirect_dma semaphore(%run_scoped3A : memref<!tpu.dma_semaphore, #tpu.memory_space<semaphore_mem>>) src(%arg16 : memref<80x128xf32, #tpu.memory_space<vmem>>) dst(%dma_wait3A_557 : memref<10240x128xf32, #tpu.memory_space<vmem_shared>>)
        tpu.yield
      }) : () -> ()
    }
    %scan3A_185 = arith.constant 41 : i32
    %dma_wait3A = arith.constant 0 : i32
    %dma_wait3A_186 = arith.constant 0 : i32
    %dma_wait3A_187 = tpu.memref_slice %arg2[%dma_wait3A, %dma_wait3A_186] : memref<10240x128xf32, #tpu.memory_space<hbm>> -> memref<10240x128xf32, #tpu.memory_space<hbm>>
    tpu.wait_indirect_dma semaphore(%arg18 : memref<!tpu.dma_semaphore, #tpu.memory_space<semaphore_mem>>) src(%dma_wait3A_187 : memref<10240x128xf32, #tpu.memory_space<hbm>>) dst(%arg14 : memref<80x128xf32, #tpu.memory_space<vmem>>)
    "tpu.region"() ({
      %run_scoped3A = tpu.sem_alloc : memref<!tpu.dma_semaphore, #tpu.memory_space<semaphore_mem>>
      %dma_start3A_202 = arith.constant 0 : i32
      %dma_start3A_203 = arith.constant 0 : i32
      %dma_start3A_204 = tpu.memref_slice %arg17[%dma_start3A_202, %dma_start3A_203] : memref<10240x128xf32, #tpu.memory_space<vmem_shared>> -> memref<10240x128xf32, #tpu.memory_space<vmem_shared>>
      tpu.enqueue_indirect_dma source(%arg14 : memref<80x128xf32, #tpu.memory_space<vmem>>) target(%dma_start3A_204 : memref<10240x128xf32, #tpu.memory_space<vmem_shared>>) offsets(%arg11 : memref<80xi32, #tpu.memory_space<vmem>>) semaphore(%run_scoped3A : memref<!tpu.dma_semaphore, #tpu.memory_space<semaphore_mem>>) {add = true}
      %dma_wait3A_205 = arith.constant 0 : i32
      %dma_wait3A_206 = arith.constant 0 : i32
      %dma_wait3A_207 = tpu.memref_slice %arg17[%dma_wait3A_205, %dma_wait3A_206] : memref<10240x128xf32, #tpu.memory_space<vmem_shared>> -> memref<10240x128xf32, #tpu.memory_space<vmem_shared>>
      tpu.wait_indirect_dma semaphore(%run_scoped3A : memref<!tpu.dma_semaphore, #tpu.memory_space<semaphore_mem>>) src(%arg14 : memref<80x128xf32, #tpu.memory_space<vmem>>) dst(%dma_wait3A_207 : memref<10240x128xf32, #tpu.memory_space<vmem_shared>>)
      tpu.yield
    }) : () -> ()
    %dma_wait3A_188 = arith.constant 0 : i32
    %dma_wait3A_189 = arith.constant 0 : i32
    %dma_wait3A_190 = tpu.memref_slice %arg2[%dma_wait3A_188, %dma_wait3A_189] : memref<10240x128xf32, #tpu.memory_space<hbm>> -> memref<10240x128xf32, #tpu.memory_space<hbm>>
    tpu.wait_indirect_dma semaphore(%arg19 : memref<!tpu.dma_semaphore, #tpu.memory_space<semaphore_mem>>) src(%dma_wait3A_190 : memref<10240x128xf32, #tpu.memory_space<hbm>>) dst(%arg15 : memref<80x128xf32, #tpu.memory_space<vmem>>)
    "tpu.region"() ({
      %run_scoped3A = tpu.sem_alloc : memref<!tpu.dma_semaphore, #tpu.memory_space<semaphore_mem>>
      %dma_start3A_202 = arith.constant 0 : i32
      %dma_start3A_203 = arith.constant 0 : i32
      %dma_start3A_204 = tpu.memref_slice %arg17[%dma_start3A_202, %dma_start3A_203] : memref<10240x128xf32, #tpu.memory_space<vmem_shared>> -> memref<10240x128xf32, #tpu.memory_space<vmem_shared>>
      tpu.enqueue_indirect_dma source(%arg15 : memref<80x128xf32, #tpu.memory_space<vmem>>) target(%dma_start3A_204 : memref<10240x128xf32, #tpu.memory_space<vmem_shared>>) offsets(%arg12 : memref<80xi32, #tpu.memory_space<vmem>>) semaphore(%run_scoped3A : memref<!tpu.dma_semaphore, #tpu.memory_space<semaphore_mem>>) {add = true}
      %dma_wait3A_205 = arith.constant 0 : i32
      %dma_wait3A_206 = arith.constant 0 : i32
      %dma_wait3A_207 = tpu.memref_slice %arg17[%dma_wait3A_205, %dma_wait3A_206] : memref<10240x128xf32, #tpu.memory_space<vmem_shared>> -> memref<10240x128xf32, #tpu.memory_space<vmem_shared>>
      tpu.wait_indirect_dma semaphore(%run_scoped3A : memref<!tpu.dma_semaphore, #tpu.memory_space<semaphore_mem>>) src(%arg15 : memref<80x128xf32, #tpu.memory_space<vmem>>) dst(%dma_wait3A_207 : memref<10240x128xf32, #tpu.memory_space<vmem_shared>>)
      tpu.yield
    }) : () -> ()
    %barrier3A_191 = arith.constant 0 : index
    tpu.barrier barrier_id(%barrier3A_191)
    %eq3A_192 = arith.constant 0 : i32
    %eq3A_193 = arith.cmpi eq, %arg0, %eq3A_192 : i32
    %convert_element_type3A_194 = arith.extui %eq3A_193 : i1 to i32
    %cond3A_195 = arith.constant 0 : i32
    %cond3A_196 = arith.cmpi ne, %convert_element_type3A_194, %cond3A_195 : i32
    scf.if %cond3A_196 {
      "tpu.region"() ({
        %run_scoped3A = tpu.sem_alloc : memref<!tpu.dma_semaphore, #tpu.memory_space<semaphore_mem>>
        %dma_start3A_202 = arith.constant 0 : i32
        %dma_start3A_203 = tpu.memref_slice %arg5[%mul3A_2, %dma_start3A_202] : memref<10240x128xf32, #tpu.memory_space<hbm>> -> memref<640x128xf32, #tpu.memory_space<hbm>>
        %dma_start3A_204 = arith.constant 0 : i32
        %dma_start3A_205 = tpu.memref_slice %arg17[%mul3A_2, %dma_start3A_204] : memref<10240x128xf32, #tpu.memory_space<vmem_shared>> -> memref<640x128xf32, #tpu.memory_space<vmem_shared>>
        tpu.enqueue_dma source(%dma_start3A_205 : memref<640x128xf32, #tpu.memory_space<vmem_shared>>) target(%dma_start3A_203 : memref<640x128xf32, #tpu.memory_space<hbm>>) target_semaphore(%run_scoped3A : memref<!tpu.dma_semaphore, #tpu.memory_space<semaphore_mem>>)
        %dma_wait3A_206 = arith.constant 0 : i32
        %dma_wait3A_207 = tpu.memref_slice %arg5[%mul3A_2, %dma_wait3A_206] : memref<10240x128xf32, #tpu.memory_space<hbm>> -> memref<640x128xf32, #tpu.memory_space<hbm>>
        %dma_wait3A_208 = arith.constant 0 : i32
        %dma_wait3A_209 = tpu.memref_slice %arg17[%mul3A_2, %dma_wait3A_208] : memref<10240x128xf32, #tpu.memory_space<vmem_shared>> -> memref<640x128xf32, #tpu.memory_space<vmem_shared>>
        tpu.wait_dma2 semaphore(%run_scoped3A : memref<!tpu.dma_semaphore, #tpu.memory_space<semaphore_mem>>) src(%dma_wait3A_209 : memref<640x128xf32, #tpu.memory_space<vmem_shared>>) dst(%dma_wait3A_207 : memref<640x128xf32, #tpu.memory_space<hbm>>)
        tpu.yield
      }) : () -> ()
    } else {
    }
    %eq3A_197 = arith.constant 1 : i32
    %eq3A_198 = arith.cmpi eq, %arg0, %eq3A_197 : i32
    %convert_element_type3A_199 = arith.extui %eq3A_198 : i1 to i32
    %cond3A_200 = arith.constant 0 : i32
    %cond3A_201 = arith.cmpi ne, %convert_element_type3A_199, %cond3A_200 : i32
    scf.if %cond3A_201 {
      "tpu.region"() ({
        %run_scoped3A = tpu.sem_alloc : memref<!tpu.dma_semaphore, #tpu.memory_space<semaphore_mem>>
        %dma_start3A_202 = arith.constant 0 : i32
        %dma_start3A_203 = tpu.memref_slice %arg6[%mul3A_2, %dma_start3A_202] : memref<10240x128xf32, #tpu.memory_space<hbm>> -> memref<640x128xf32, #tpu.memory_space<hbm>>
        %dma_start3A_204 = arith.constant 0 : i32
        %dma_start3A_205 = tpu.memref_slice %arg17[%mul3A_2, %dma_start3A_204] : memref<10240x128xf32, #tpu.memory_space<vmem_shared>> -> memref<640x128xf32, #tpu.memory_space<vmem_shared>>
        tpu.enqueue_dma source(%dma_start3A_205 : memref<640x128xf32, #tpu.memory_space<vmem_shared>>) target(%dma_start3A_203 : memref<640x128xf32, #tpu.memory_space<hbm>>) target_semaphore(%run_scoped3A : memref<!tpu.dma_semaphore, #tpu.memory_space<semaphore_mem>>)
        %dma_wait3A_206 = arith.constant 0 : i32
        %dma_wait3A_207 = tpu.memref_slice %arg6[%mul3A_2, %dma_wait3A_206] : memref<10240x128xf32, #tpu.memory_space<hbm>> -> memref<640x128xf32, #tpu.memory_space<hbm>>
        %dma_wait3A_208 = arith.constant 0 : i32
        %dma_wait3A_209 = tpu.memref_slice %arg17[%mul3A_2, %dma_wait3A_208] : memref<10240x128xf32, #tpu.memory_space<vmem_shared>> -> memref<640x128xf32, #tpu.memory_space<vmem_shared>>
        tpu.wait_dma2 semaphore(%run_scoped3A : memref<!tpu.dma_semaphore, #tpu.memory_space<semaphore_mem>>) src(%dma_wait3A_209 : memref<640x128xf32, #tpu.memory_space<vmem_shared>>) dst(%dma_wait3A_207 : memref<640x128xf32, #tpu.memory_space<hbm>>)
        tpu.yield
      }) : () -> ()
    } else {
    }
    return
  }
}

module attributes {stable_mosaic.version = 14 : i64} {
  func.func @_prep_body(%arg0: i32, %arg1: memref<1024x128xf32, #tpu.memory_space<vmem>>, %arg2: memref<128x128xf32, #tpu.memory_space<vmem>>, %arg3: memref<1024x1xf32, #tpu.memory_space<vmem>>, %arg4: memref<1024x1xf32, #tpu.memory_space<vmem>>, %arg5: memref<1024x128xf32, #tpu.memory_space<vmem>>, %arg6: memref<1024x1xf32, #tpu.memory_space<vmem>>) attributes {dimension_semantics = [#tpu.dimension_semantics<arbitrary>], iteration_bounds = array<i64: 10>, scalar_prefetch = 0 : i64, scratch_operands = 0 : i64, tpu.core_type = #tpu.core_type<tc>, window_params = [{transform_indices = @transform_0, window_bounds = array<i64: 1024, 128>}, {pipeline_mode = #tpu.pipeline_mode<synchronous>, transform_indices = @transform_1, window_bounds = array<i64: 128, 128>}, {transform_indices = @transform_2, window_bounds = array<i64: 1024, 1>}, {transform_indices = @transform_3, window_bounds = array<i64: 1024, 1>}, {transform_indices = @transform_4, window_bounds = array<i64: 1024, 128>}, {transform_indices = @transform_5, window_bounds = array<i64: 1024, 1>}]} {
    %get3A = arith.constant 0 : index
    %get3A_0 = arith.constant 0 : index
    %get3A_1 = vector.load %arg3[%get3A, %get3A_0] : memref<1024x1xf32, #tpu.memory_space<vmem>>, vector<1024x1xf32>
    %get3A_2 = arith.constant 0 : index
    %get3A_3 = arith.constant 0 : index
    %get3A_4 = vector.load %arg4[%get3A_2, %get3A_3] : memref<1024x1xf32, #tpu.memory_space<vmem>>, vector<1024x1xf32>
    %add3A = arith.addf %get3A_1, %get3A_4 : vector<1024x1xf32>
    %add3A_5 = arith.constant 1.000000e+00 : f32
    %add3A_6 = vector.broadcast %add3A_5 : f32 to vector<1024x1xf32>
    %add3A_7 = arith.addf %add3A, %add3A_6 : vector<1024x1xf32>
    %rsqrt3A = math.rsqrt %add3A_7 : vector<1024x1xf32>
    %get3A_8 = arith.constant 0 : index
    %get3A_9 = arith.constant 0 : index
    %get3A_10 = vector.load %arg1[%get3A_8, %get3A_9] : memref<1024x128xf32, #tpu.memory_space<vmem>>, vector<1024x128xf32>
    %get3A_11 = arith.constant 0 : index
    %get3A_12 = arith.constant 0 : index
    %get3A_13 = vector.load %arg2[%get3A_11, %get3A_12] : memref<128x128xf32, #tpu.memory_space<vmem>>, vector<128x128xf32>
    %dot_general3A = arith.constant dense<0.000000e+00> : vector<1024x128xf32>
    %dot_general3A_14 = tpu.matmul %get3A_10, %get3A_13, %dot_general3A {dimension_numbers = #tpu.dot_dimension_numbers<[1], [0], [0], [1], [0, 0, 1, 1], [], []>, transpose_lhs_hint = false} : vector<1024x128xf32>, vector<128x128xf32>, vector<1024x128xf32> -> vector<1024x128xf32>
    %mul3A = vector.broadcast %rsqrt3A : vector<1024x1xf32> to vector<1024x128xf32>
    %mul3A_15 = arith.mulf %dot_general3A_14, %mul3A : vector<1024x128xf32>
    %swap3A = arith.constant 0 : index
    %swap3A_16 = arith.constant 0 : index
    %swap3A_17 = vector.load %arg5[%swap3A, %swap3A_16] : memref<1024x128xf32, #tpu.memory_space<vmem>>, vector<1024x128xf32>
    tpu.vector_store %arg5[%swap3A, %swap3A_16], %mul3A_15 {strides = array<i32>} : memref<1024x128xf32, #tpu.memory_space<vmem>>, vector<1024x128xf32>,
    %swap3A_18 = arith.constant 0 : index
    %swap3A_19 = arith.constant 0 : index
    %swap3A_20 = vector.load %arg6[%swap3A_18, %swap3A_19] : memref<1024x1xf32, #tpu.memory_space<vmem>>, vector<1024x1xf32>
    tpu.vector_store %arg6[%swap3A_18, %swap3A_19], %rsqrt3A {strides = array<i32>} : memref<1024x1xf32, #tpu.memory_space<vmem>>, vector<1024x1xf32>,
    return
  }
  func.func @transform_0(%arg0: i32) -> (i32, i32) {
    %c0_i32 = arith.constant 0 : i32
    %c0_i32_0 = arith.constant 0 : i32
    return %arg0, %c0_i32 : i32, i32
  }
  func.func @transform_1(%arg0: i32) -> (i32, i32) {
    %c0_i32 = arith.constant 0 : i32
    %c0_i32_0 = arith.constant 0 : i32
    %c0_i32_1 = arith.constant 0 : i32
    return %c0_i32, %c0_i32_0 : i32, i32
  }
  func.func @transform_2(%arg0: i32) -> (i32, i32) {
    %c0_i32 = arith.constant 0 : i32
    %c0_i32_0 = arith.constant 0 : i32
    return %arg0, %c0_i32 : i32, i32
  }
  func.func @transform_3(%arg0: i32) -> (i32, i32) {
    %c0_i32 = arith.constant 0 : i32
    %c0_i32_0 = arith.constant 0 : i32
    return %arg0, %c0_i32 : i32, i32
  }
  func.func @transform_4(%arg0: i32) -> (i32, i32) {
    %c0_i32 = arith.constant 0 : i32
    %c0_i32_0 = arith.constant 0 : i32
    return %arg0, %c0_i32 : i32, i32
  }
  func.func @transform_5(%arg0: i32) -> (i32, i32) {
    %c0_i32 = arith.constant 0 : i32
    %c0_i32_0 = arith.constant 0 : i32
    return %arg0, %c0_i32 : i32, i32
  }
}

module attributes {stable_mosaic.version = 14 : i64} {
  func.func @_final_body(%arg0: i32, %arg1: memref<1000x128xf32, #tpu.memory_space<vmem>>, %arg2: memref<1000x128xf32, #tpu.memory_space<vmem>>, %arg3: memref<1000x1xf32, #tpu.memory_space<vmem>>, %arg4: memref<1x128xf32, #tpu.memory_space<vmem>>, %arg5: memref<1000x128xf32, #tpu.memory_space<vmem>>) attributes {dimension_semantics = [#tpu.dimension_semantics<arbitrary>], iteration_bounds = array<i64: 10>, scalar_prefetch = 0 : i64, scratch_operands = 0 : i64, tpu.core_type = #tpu.core_type<tc>, window_params = [{transform_indices = @transform_0, window_bounds = array<i64: 1000, 128>}, {transform_indices = @transform_1, window_bounds = array<i64: 1000, 128>}, {transform_indices = @transform_2, window_bounds = array<i64: 1000, 1>}, {pipeline_mode = #tpu.pipeline_mode<synchronous>, transform_indices = @transform_3, window_bounds = array<i64: 1, 128>}, {transform_indices = @transform_4, window_bounds = array<i64: 1000, 128>}]} {
    %get3A = arith.constant 0 : index
    %get3A_0 = arith.constant 0 : index
    %get3A_1 = vector.load %arg1[%get3A, %get3A_0] : memref<1000x128xf32, #tpu.memory_space<vmem>>, vector<1000x128xf32>
    %get3A_2 = arith.constant 0 : index
    %get3A_3 = arith.constant 0 : index
    %get3A_4 = vector.load %arg2[%get3A_2, %get3A_3] : memref<1000x128xf32, #tpu.memory_space<vmem>>, vector<1000x128xf32>
    %add3A = arith.addf %get3A_1, %get3A_4 : vector<1000x128xf32>
    %get3A_5 = arith.constant 0 : index
    %get3A_6 = arith.constant 0 : index
    %get3A_7 = vector.load %arg3[%get3A_5, %get3A_6] : memref<1000x1xf32, #tpu.memory_space<vmem>>, vector<1000x1xf32>
    %mul3A = vector.broadcast %get3A_7 : vector<1000x1xf32> to vector<1000x128xf32>
    %mul3A_8 = arith.mulf %add3A, %mul3A : vector<1000x128xf32>
    %get3A_9 = arith.constant 0 : index
    %get3A_10 = arith.constant 0 : index
    %get3A_11 = vector.load %arg4[%get3A_9, %get3A_10] : memref<1x128xf32, #tpu.memory_space<vmem>>, vector<1x128xf32>
    %add3A_12 = vector.broadcast %get3A_11 : vector<1x128xf32> to vector<1000x128xf32>
    %add3A_13 = arith.addf %mul3A_8, %add3A_12 : vector<1000x128xf32>
    %max3A = arith.constant 0.000000e+00 : f32
    %max3A_14 = vector.broadcast %max3A : f32 to vector<1000x128xf32>
    %max3A_15 = arith.maximumf %add3A_13, %max3A_14 : vector<1000x128xf32>
    %swap3A = arith.constant 0 : index
    %swap3A_16 = arith.constant 0 : index
    %swap3A_17 = vector.load %arg5[%swap3A, %swap3A_16] : memref<1000x128xf32, #tpu.memory_space<vmem>>, vector<1000x128xf32>
    tpu.vector_store %arg5[%swap3A, %swap3A_16], %max3A_15 {strides = array<i32>} : memref<1000x128xf32, #tpu.memory_space<vmem>>, vector<1000x128xf32>,
    return
  }
  func.func @transform_0(%arg0: i32) -> (i32, i32) {
    %c0_i32 = arith.constant 0 : i32
    %c0_i32_0 = arith.constant 0 : i32
    return %arg0, %c0_i32 : i32, i32
  }
  func.func @transform_1(%arg0: i32) -> (i32, i32) {
    %c0_i32 = arith.constant 0 : i32
    %c0_i32_0 = arith.constant 0 : i32
    return %arg0, %c0_i32 : i32, i32
  }
  func.func @transform_2(%arg0: i32) -> (i32, i32) {
    %c0_i32 = arith.constant 0 : i32
    %c0_i32_0 = arith.constant 0 : i32
    return %arg0, %c0_i32 : i32, i32
  }
  func.func @transform_3(%arg0: i32) -> (i32, i32) {
    %c0_i32 = arith.constant 0 : i32
    %c0_i32_0 = arith.constant 0 : i32
    %c0_i32_1 = arith.constant 0 : i32
    return %c0_i32, %c0_i32_0 : i32, i32
  }
  func.func @transform_4(%arg0: i32) -> (i32, i32) {
    %c0_i32 = arith.constant 0 : i32
    %c0_i32_0 = arith.constant 0 : i32
    return %arg0, %c0_i32 : i32, i32
  }
}

</mosaic_0001>

<sc_bundles>
// kernel: kernel.6.cloned.1.call-start
scs
__scs_entry_jumppad:
0x0: {  	(pc) =	sbr.rel $0x88, $3  }
0x1: {  	(tag) =	ssettag $0x0;
	lr =	simm.s32 $0x1  }
0x2: {  	[smem:$0x3F9D] =	sst lr;
	_ =	strace $0xD0000000  }
0x3: {  	_ = 	snop  }
0x4: {  	_ = 	snop  }
0x5: {  	_ = 	snop  }
0x6: {  	_ = 	snop  }
0x7: {  	_ = 	snop  }
__scs_overlays_trampoline_lowered:
0x8: {  	[smem:$0x3FAC] =	sst s0  }
0x9: {  	[smem:$0x3FAD] =	sst s1  }
0xa: {  	[smem:$0x3FAE] =	sst s2  }
0xb: {  	[smem:$0x3FAF] =	sst s3  }
0xc: {  	[smem:$0x3FB0] =	sst s4  }
0xd: {  	[smem:$0x3FB1] =	sst s5  }
0xe: {  	[smem:$0x3FB2] =	sst s6  }
0xf: {  	[smem:$0x3FB3] =	sst s7  }
0x10: {  	[smem:$0x3FB4] =	sst s8  }
0x11: {  	[smem:$0x3FB5] =	sst s9;
	s0 =	simm.s32 @!p0 $0x0  }
0x12: {  	s1 =	sld [smem:$0x3F9B];
	s0 =	simm.s32 @p0 $0x1  }
0x13: {  	[smem:$0x3FB6] =	sst s0;
	s0 =	simm.s32 @!p1 $0x0  }
0x14: {  	s2 =	sld [smem:$0x3F9A];
	s0 =	simm.s32 @p1 $0x1  }
0x15: {  	[smem:$0x3FB7] =	sst s0;
	s0 =	simm.s32 @!p2 $0x0  }
0x16: {  	s3 =	sld [smem:$0x3FDB];
	s0 =	simm.s32 @p2 $0x1  }
0x17: {  	s4 =	simm.s32 $0x1BF5;
	[smem:$0x3FB9] =	sst s0  }
0x18: {  	s0 =	sld [smem:$0x3F9C];
	_ =	swait.ge [sflag:s4], $0x0  }
0x19: {  	s7 =	sld [smem:$0x3F9D]  }
0x1a: {  	s8 =	sadd.s32 $0xFFFFE003, lr  }
0x1b: {  	s9 =	sadd.s32 $0xFFFFFEF7, lr;
	s5 =	simm.s32 $0xFFFFFFFF;
	p2 =	slt.u32 s8, $0xFFFFF086  }
0x1c: {  	p1 =	slt.u32 s9, $0xF7A;
	s5 =	simm.s32 @!p2 $0x0  }
0x1d: {  	s5 =	simm.s32 @p1 $0x1;
	p0 =	seq.s32 s7, s2  }
0x1e: {  	s7 =	smul.u32 @!p0 $0xF7A, s2;
	p2 =	seq.s32 @!p0 s5, $0x0  }
0x1f: {  	s9 =	smul.u32 $0xF7A, s1;
	s8 =	simm.s32 @!p0 $0x1BF5;
	p2 =	por !p2, p0  }
0x20: {  	[sflag:s8] =	ssyncset.s32 @!p0 $0xFFFFF086;
	s6 =	sadd.s32 @!p0 s3, s7;
	s7 =	simm.s32 @!p0 $0x108  }
0x21: {  	s3 =	sadd.s32 s3, s9;
	s6 =	sadd.s32 @!p0 $0x88, s6;
	s7 =	simm.s32 @p2 $0x1082  }
0x22: {  	[simem:s7], [sflag:s8] =	dma.local @!p0 [hbm:s6], $0xF7A  }
0x23: {  	s9 =	sor.u32 $0xD0000000, s2;
	s6 =	simm.s32 $0x108;
	_ =	swait.ge @!p0 [sflag:s8], $0x0  }
0x24: {  	s3 =	sadd.s32 $0x88, s3;
	s6 =	simm.s32 @!p1 $0x1082;
	[sflag:s4] =	ssyncset.s32 $0xFFFFF086  }
0x25: {  	[simem:s6], [sflag:s4] =	dma.local [hbm:s3], $0xF7A  }
0x26: {  	[smem:$0x3F9D] =	sst s1;
	(tag) =	ssettag s2;
	_ =	strace s9  }
0x27: {  	s1 =	sld [smem:$0x3FAD]  }
0x28: {  	s2 =	sld [smem:$0x3FAE]  }
0x29: {  	s4 =	sld [smem:$0x3FB0]  }
0x2a: {  	p0 =	seq.s32 s5, $0x0;
	s5 =	sld [smem:$0x3FB1]  }
0x2b: {  	s6 =	sld [smem:$0x3FB2]  }
0x2c: {  	s7 =	sld [smem:$0x3FB3]  }
0x2d: {  	s3 =	simm.s32 $0x108;
	s8 =	sld [smem:$0x3FB4]  }
0x2e: {  	s3 =	simm.s32 @!p0 $0x1082;
	s9 =	sld [smem:$0x3FB5]  }
0x2f: {  	lr =	sadd.s32 s0, s3;
	s0 =	sld [smem:$0x3FAC]  }
0x30: {  	s3 =	sld [smem:$0x3FAF]  }
0x31: {  	[smem:$0x3FB8] =	sst s10  }
0x32: {  	s10 =	sld [smem:$0x3FB6];
	_ =	sdelay $0x3  }
0x33: {  	p0 =	seq.s32 s10, $0x1;
	s10 =	sld [smem:$0x3FB8];
	_ =	sdelay $0x3  }
0x34: {  	[smem:$0x3FB8] =	sst s10  }
0x35: {  	s10 =	sld [smem:$0x3FB7];
	_ =	sdelay $0x3  }
0x36: {  	p1 =	seq.s32 s10, $0x1;
	s10 =	sld [smem:$0x3FB8];
	_ =	sdelay $0x3  }
0x37: {  	[smem:$0x3FB8] =	sst s10  }
0x38: {  	s10 =	sld [smem:$0x3FB9]  }
0x39: {  	_ = 	snop;
	(pc) =	sbr.ind lr, $3  }
0x3a: {  	_ = 	snop  }
0x3b: {  	_ = 	snop  }
0x3c: {  	p2 =	seq.s32 s10, $0x1;
	s10 =	sld [smem:$0x3FB8]  }
0x3d: {  	_ =	shalt  }
0x3e: {  	_ =	shalt  }
0x3f: {  	_ =	shalt  }
0x40: {  	_ =	shalt  }
0x41: {  	_ =	shalt  }
0x42: {  	_ =	shalt  }
0x43: {  	_ =	shalt  }
0x44: {  	_ =	shalt  }
0x45: {  	_ =	shalt  }
0x46: {  	_ =	shalt  }
0x47: {  	_ =	shalt  }
0x48: {  	_ =	shalt  }
0x49: {  	_ =	shalt  }
0x4a: {  	_ =	shalt  }
0x4b: {  	_ =	shalt  }
0x4c: {  	_ =	shalt  }
0x4d: {  	_ =	shalt  }
0x4e: {  	_ =	shalt  }
0x4f: {  	_ =	shalt  }
0x50: {  	_ =	shalt  }
0x51: {  	_ =	shalt  }
0x52: {  	_ =	shalt  }
0x53: {  	_ =	shalt  }
0x54: {  	_ =	shalt  }
0x55: {  	_ =	shalt  }
0x56: {  	_ =	shalt  }
0x57: {  	_ =	shalt  }
0x58: {  	_ =	shalt  }
0x59: {  	_ =	shalt  }
0x5a: {  	_ =	shalt  }
0x5b: {  	_ =	shalt  }
0x5c: {  	_ =	shalt  }
0x5d: {  	_ =	shalt  }
0x5e: {  	_ =	shalt  }
0x5f: {  	_ =	shalt  }
0x60: {  	_ =	shalt  }
0x61: {  	_ =	shalt  }
0x62: {  	_ =	shalt  }
0x63: {  	_ =	shalt  }
0x64: {  	_ =	shalt  }
0x65: {  	_ =	shalt  }
0x66: {  	_ =	shalt  }
0x67: {  	_ =	shalt  }
0x68: {  	_ =	shalt  }
0x69: {  	_ =	shalt  }
0x6a: {  	_ =	shalt  }
0x6b: {  	_ =	shalt  }
0x6c: {  	_ =	shalt  }
0x6d: {  	_ =	shalt  }
0x6e: {  	_ =	shalt  }
0x6f: {  	_ =	shalt  }
0x70: {  	_ =	shalt  }
0x71: {  	_ =	shalt  }
0x72: {  	_ =	shalt  }
0x73: {  	_ =	shalt  }
0x74: {  	_ =	shalt  }
0x75: {  	_ =	shalt  }
0x76: {  	_ =	shalt  }
0x77: {  	_ =	shalt  }
0x78: {  	_ =	shalt  }
0x79: {  	_ =	shalt  }
0x7a: {  	_ =	shalt  }
0x7b: {  	_ =	shalt  }
0x7c: {  	_ =	shalt  }
0x7d: {  	_ =	shalt  }
0x7e: {  	_ =	shalt  }
0x7f: {  	_ =	shalt  }
0x80: {  	_ =	shalt  }
0x81: {  	_ =	shalt  }
0x82: {  	_ =	shalt  }
0x83: {  	_ =	shalt  }
0x84: {  	_ =	shalt  }
0x85: {  	_ =	shalt  }
0x86: {  	_ =	shalt  }
0x87: {  	_ =	shalt  }
.Lfunc_end0:
.L_simem_size_0:
called_computation_lowered:
.L_overlay_start_0:
0x88: {  	s2 =	sld [smem:$0x3FD9]  }
0x89: {  	s3 =	sld [smem:$0x3FFE];
	_ =	sdelay $0x1  }
0x8a: {  	s1 =	srdreg.scid  }
0x8b: {  	s0 =	sand.u32 $0x1, s1  }
0x8c: {  	s17 =	sshll.u32 s0, $0xA;
	s2 =	sadd.s32 s3, s2  }
0x8d: {  	s2 =	sadd.s32 s2, s17  }
0x8e: {  	[smem:$0x3FC4] =	sst s2  }
0x8f: {  	_ = 	snop  }
0x90: {  	s2 =	sld [smem:$0x3FD0];
	(tm) =	ssettm $0x1  }
0x91: {  	s18 =	sld [smem:$0x3FFB];
	_ =	sdelay $0x3  }
0x92: {  	_ =	strace s18  }
0x93: {  	s3 =	sld [smem:$0x3FFC];
	_ =	sdelay $0x3  }
0x94: {  	_ =	strace s3  }
0x95: {  	s3 =	sld [smem:$0x3FFD];
	_ =	sdelay $0x3  }
0x96: {  	_ =	strace s3  }
0x97: {  	_ =	strace $0x8FFFFFFF  }
0x98: {  	s19 =	sld [smem:$0x3FDB];
	_ =	sdelay $0x1  }
0x99: {  	s4 =	simm.s32 $_scs_section_size  }
0x9a: {  	s5 =	simm.s32 $_size__tile_overlayer_lowered;
	s6 =	simm.s32 $_tile_overlayer_lowered  }
0x9b: {  	s22 =	simm.s32 $0x1BFF;
	s21 =	sshll.u32 s6, $0x1;
	s3 =	sadd.s32 s4, s19  }
0x9c: {  	s7 =	simm.s32 $0x0;
	s20 =	sshll.u32 s5, $0x1;
	s5 =	sadd.s32 s21, s3  }
0x9d: {  	[timem:s7], [sflag:s22] =	dma.local [hbm:s5], s20  }
0x9e: {  	_ =	swait.ge [sflag:s22], s20  }
0x9f: {  	s4 =	ssub.s32 $0x0, s20;
	[sflag:s22] =	ssyncset.done $0x0  }
0xa0: {  	[sflag:s22] =	ssyncadd.s32 s4;
	_ =	sdelay $0x1  }
0xa1: {  	s23 =	simm.s32 $0x1B8B  }
0xa2: {  	_ =	swait.ge [sflag:s23], $0x1  }
0xa3: {  	[sflag:s23] =	ssyncset.done $0x0  }
0xa4: {  	s25 =	simm.s32 $0x1B8E;
	s24 =	sld [smem:$0x3FFE];
	[sflag:s23] =	ssyncadd.s32 $0xFFFFFFFF  }
0xa5: {  	s26 =	simm.s32 $execute0_lowered;
	[smem:$0x3FD2] =	sst s25  }
0xa6: {  	s5 =	sshll.u32 s26, $0x1;
	_ =	strace $0x80000046;
	[dreg:$0x1] =	wrdreg $0xFFFFFFFF  }
0xa7: {  	s28 =	simm.s32 $_size_execute0_lowered;
	s3 =	sadd.s32 s3, s5;
	[dreg:$0x0] =	wrdreg $0x0  }
0xa8: {  	s5 =	sshll.u32 s28, $0x1;
	[dreg:$0x2] =	wrdreg s3  }
0xa9: {  	[dreg:$0x3] =	wrdreg s5  }
0xaa: {  	[dreg:$0x4] =	wrdreg $0xC0  }
0xab: {  	_ =	task [dreg:s7], $0x5FFFF  }
0xac: {  	[dreg:$0x1] =	wrdreg $0xFFFFFFFF  }
0xad: {  	[dreg:$0x0] =	wrdreg $0x60  }
0xae: {  	[dreg:$0x2] =	wrdreg s2  }
0xaf: {  	[dreg:$0x3] =	wrdreg s24  }
0xb0: {  	[dreg:$0x4] =	wrdreg $0x40800  }
0xb1: {  	[dreg:$0x5] =	wrdreg $0x9  }
0xb2: {  	_ =	task.clear_ibuf [dreg:s7], $0x6FFFF;
	_ =	strace $0x90000046  }
0xb3: {  	s29 =	simm.s32 $0x9;
	_ =	strace $0x80000048  }
0xb4: {  	_ =	swait.ge [sflag:s29], $0x1  }
0xb5: {  	[sflag:s29] =	ssyncadd.s32 $0xFFFFFFFF  }
0xb6: {  	_ =	strace $0x90000048  }
0xb7: {  	_ =	sfence  }
0xb8: {  	s30 =	sld [smem:$0x0];
	_ =	sdelay $0x2  }
0xb9: {  	s31 =	sshll.u32 s1, $0xD;
	s1 =	sshrl.u32 s1, $0x2  }
0xba: {  	s3 =	sand.u32 $0x4000, s31;
	s1 =	sadd.s32 s1, s30  }
0xbb: {  	s0 =	sor.u32 s3, s0;
	s1 =	sshll.u32 s1, $0x11  }
0xbc: {  	s0 =	sor.u32 s1, s0  }
0xbd: {  	s0 =	sadd.s32 $0x8F2B, s0  }
0xbe: {  	[sflag:s0] =	ssyncadd.remote.s32 $0x1  }
0xbf: {  	_ =	sfence.sel $0xFFFF  }
0xc0: {  	[dreg:$0x0] =	wrdreg $0xFFFFFFFF;
	(pc) =	sbr.abs _section_cstart, $3  }
0xc1: {  	[dreg:$0x1] =	wrdreg $0xFFFFFFFF  }
0xc2: {  	_ =	task.clear_ibuf [dreg:s7], $0x2FFFF;
	_ =	strace $0x9FFFFFFF  }
0xc3: {  	(tm) =	ssettm $0x7FFFFFFF  }
tec
execute0_lowered:
.L_overlay_start_1:
0x0: {  	(tag) =	ssettag $0x1  }
0x1: {  	s6 =	rddreg [dreg:$0x0]  }
0x2: {  	s9 =	rddreg [dreg:$0x1]  }
0x3: {  	s2 =	rddreg [dreg:$0x2]  }
0x4: {  	s0 =	rddreg [dreg:$0x3];
	s4 =	srdreg.scid  }
0x5: {  	s3 =	simm.s32 $0x0;
	s1 =	stileid.u32;
	s15 =	simm.s32 $0x2200  }
0x6: {  	s16 =	simm.s32 $0x3E00;
	s17 =	simm.s32 $0x0;
	s7 =	sand.u32 $0x1, s4  }
0x7: {  	[smem:$0x7FF] =	sst s3;
	s10 =	smul.u32 $0x280, s1;
	s4 =	sadd.s32 $0x1E00, s9  }
0x8: {  	s5 =	sadd.s32 $0x2000, s9;
	s12 =	sshll.u32 s1, $0x6;
	s14 =	sshll.u32 s1, $0xB  }
0x9: {  	s8 =	ssub.s32 $0x2, s7;
	_ =	strace $0x80000047;
	s13 =	sshll.u32 s7, $0xF  }
0xa: {  	s14 =	sadd.s32 s6, s14;
	p0 =	seq.s32 s7, $0x1;
	s6 =	sor.u32 $0x1C03, s12  }
0xb: {  	s12 =	simm.s32 $0x4000;
	s11 =	sshrl.u32 s8, $0x1;
	s31 =	sadd.s32 s10, s2  }
0xc: {  	s7 =	sadd.s32 s13, s14;
	s15 =	simm.s32 @!p0 $0x2800;
	s10 =	sshrl.u32 s10, $0x3  }
0xd: {  	s13 =	simm.s32 $0x50;
	s14 =	simm.s32 $0x1;
	s8 =	ssub.s32 s8, s11  }
0xe: {  	s9 =	sadd.s32 s15, s9;
	s11 =	simm.s32 $0x3;
	s15 =	simm.s32 $0x2  }
0xf: {  	s8 =	smax.u32 s8, $0x1;
	s9 =	sadd.s32 s9, s10;
	s10 =	sshrl.u32 s31, $0x3  }
.LBB2_1:
0x10: {  	[spmem:s10], [sflag:s6] =	dma.local [hbm:s5], $0x50  }
0x11: {  	_ =	swait.ge [sflag:s11], $0x50  }
0x12: {  	[sflag:s11] =	ssyncset.done $0x0  }
0x13: {  	[sflag:s11] =	ssyncadd.s32 $0xFFFFFFB0  }
0x14: {  	[tilespmem:s3], [sflag:$0x3] =	stream.linear.gather [hbm4b:s7+s3], $0x3E80, $0x38;
	[tilespmem:$0x4300] =	vst v63  }
0x15: {  	_ =	swait.ge [sflag:s11], $0x3E80  }
0x16: {  	[sflag:s11] =	ssyncset.done $0x0  }
0x17: {  	[sflag:s11] =	ssyncadd.s32 $0xFFFFC180  }
0x18: {  	[tilespmem:s12], [sflag:$0x3] =	stream.linear.gather [hbm4b:s4+s3], $0x80, $0x38;
	[tilespmem:$0x4300] =	vst v63  }
0x19: {  	_ =	swait.ge [sflag:s11], $0x80  }
0x1a: {  	[sflag:s11] =	ssyncset.done $0x0  }
0x1b: {  	[sflag:s11] =	ssyncadd.s32 $0xFFFFFF80  }
0x1c: {  	s18 =	simm.s32 $0x0;
	[bflag:$0x0] =	sbarrier.arrive $0xFFFF  }
0x1d: {  	[spmem:s2] =	stream.indirect.scatter.add.f32 [tilespmem:s12], [sflag:$0x1], $0x1, s18, s13, $0xb8;
	[tilespmem:$0x4300] =	vst v63  }
0x1e: {  	s31 =	simm.s32 $0x80  }
0x1f: {  	[spmem:s2] =	stream.indirect.scatter.add.f32 [tilespmem:s12], [sflag:$0x2], $0x1, s31, s13, $0xb8;
	[tilespmem:$0x4300] =	vst v63  }
0x20: {  	_ =	swait.ge [sflag:s14], $0x50  }
0x21: {  	[sflag:s14] =	ssyncset.done $0x0  }
0x22: {  	[sflag:s14] =	ssyncadd.s32 $0xFFFFFFB0  }
0x23: {  	_ =	swait.ge [sflag:s15], $0x50  }
0x24: {  	s19 =	simm.s32 $0x800;
	s18 =	simm.s32 $0x400;
	[sflag:s15] =	ssyncset.done $0x0  }
.LBB2_2:
0x25: {  	s20 =	sshra.s32 s18, $0x2  }
0x26: {  	[sflag:s15] =	ssyncadd.s32 $0xFFFFFFB0;
	s18 =	smov.u32 s19;
	s21 =	sadd.s32 $0x400, s19  }
0x27: {  	[spmem:s2] =	stream.indirect.scatter.add.f32 [tilespmem:s12], [sflag:$0x1], $0x1, s20, s13, $0xb8;
	[tilespmem:$0x4300] =	vst v63  }
0x28: {  	p0 =	sne.s32 s19, $0xF400;
	s19 =	sadd.s32 $0x80, s20  }
0x29: {  	[spmem:s2] =	stream.indirect.scatter.add.f32 [tilespmem:s12], [sflag:$0x2], $0x1, s19, s13, $0xb8;
	[tilespmem:$0x4300] =	vst v63  }
.Ltmp0:
0x2a: {  	_ =	swait.ge [sflag:s14], $0x50;
	(pc) =	sbr.rel @p0 .LBB2_2-.Ltmp0, $4  }
0x2b: {  	[sflag:s14] =	ssyncset.done $0x0  }
0x2c: {  	[sflag:s14] =	ssyncadd.s32 $0xFFFFFFB0  }
0x2d: {  	_ =	swait.ge [sflag:s15], $0x50  }
0x2e: {  	s19 =	smov.u32 s21;
	[sflag:s15] =	ssyncset.done $0x0  }
0x2f: {  	s18 =	sshra.s32 s18, $0x2;
	[sflag:s15] =	ssyncadd.s32 $0xFFFFFFB0  }
0x30: {  	[spmem:s2] =	stream.indirect.scatter.add.f32 [tilespmem:s12], [sflag:$0x1], $0x1, s18, s13, $0xb8;
	[tilespmem:$0x4300] =	vst v63  }
0x31: {  	s18 =	sadd.s32 $0x80, s18  }
0x32: {  	[spmem:s2] =	stream.indirect.scatter.add.f32 [tilespmem:s12], [sflag:$0x2], $0x1, s18, s13, $0xb8;
	[tilespmem:$0x4300] =	vst v63  }
0x33: {  	_ =	swait.ge [sflag:s14], $0x50  }
0x34: {  	[sflag:s14] =	ssyncset.done $0x0  }
0x35: {  	[sflag:s14] =	ssyncadd.s32 $0xFFFFFFB0  }
0x36: {  	_ =	swait.ge [sflag:s15], $0x50  }
0x37: {  	[sflag:s15] =	ssyncset.done $0x0  }
0x38: {  	[sflag:s15] =	ssyncadd.s32 $0xFFFFFFB0  }
0x39: {  	[spmem:s2] =	stream.indirect.scatter.add.f32 [tilespmem:s12], [sflag:$0x3], $0x1, s16, s13, $0xb8;
	[tilespmem:$0x4300] =	vst v63  }
0x3a: {  	_ =	swait.ge [sflag:s11], $0x50  }
0x3b: {  	s17 =	sadd.s32 $0x1, s17;
	[sflag:s11] =	ssyncset.done $0x0  }
0x3c: {  	p0 =	sne.s32 s17, s8;
	[sflag:s11] =	ssyncadd.s32 $0xFFFFFFB0  }
.Ltmp1:
0x3d: {  	[bflag:$0x0] =	sbarrier.arrive $0xFFFF;
	(pc) =	sbr.rel @p0 .LBB2_1-.Ltmp1, $4  }
0x3e: {  	[hbm:s9], [sflag:s6] =	dma.local [spmem:s10], $0x50  }
0x3f: {  	_ =	swait.ge [sflag:s11], $0x50  }
0x40: {  	[sflag:s11] =	ssyncset.done $0x0  }
0x41: {  	[sflag:s11] =	ssyncadd.s32 $0xFFFFFFB0  }
0x42: {  	_ =	sfence.sel $0x180000  }
0x43: {  	[bflag:$0x0] =	sbarrier.arrive $0xFFFF  }
0x44: {  	p0 =	sne.s32 s1, $0x0;
	_ =	strace $0x90000047  }
0x45: {  	s0 =	sadd.s32 @!p0 $0x100000, s0;
	[bflag:$0x2] =	sbarrier.arrive $0xFFFF  }
0x46: {  	[sflag:s0] =	ssyncadd.tile.s32 @!p0 $0x1;
	_ =	shalt  }
.Lfunc_end2:
_tile_overlayer_lowered:
.L_overlay_start_2:
0x47: {  	(tag) =	ssettag $0x2  }
0x48: {  	s0 =	rddreg [dreg:$0x0];
	s2 =	stileid.u32  }
0x49: {  	s1 =	rddreg [dreg:$0x1];
	p0 =	sne.s32 s2, $0x0  }
0x4a: {  	s3 =	rddreg [dreg:$0x2];
	[bflag:$0x3] =	sbarrier.arrive $0xFFFF;
	s2 =	simm.s32 @!p0 $0x1C03  }
0x4b: {  	[timem:s3], [sflag:s2] =	dma.local @!p0 [hbm:s0], s1  }
0x4c: {  	s0 =	simm.s32 @!p0 $0x3  }
0x4d: {  	_ =	swait.ge @!p0 [sflag:s0], s1  }
0x4e: {  	s1 =	ssub.s32 @!p0 $0x0, s1;
	[sflag:s0] =	ssyncset.done @!p0 $0x0  }
0x4f: {  	[sflag:s0] =	ssyncadd.s32 @!p0 s1  }
0x50: {  	[bflag:$0x3] =	sbarrier.arrive $0xFFFF  }
0x51: {  	_ =	shalt  }

// kernel: kernel.9.cloned.1.call-start
scs
__scs_entry_jumppad:
0x0: {  	(pc) =	sbr.rel $0x88, $3  }
0x1: {  	(tag) =	ssettag $0x0;
	lr =	simm.s32 $0x1  }
0x2: {  	[smem:$0x3F9D] =	sst lr;
	_ =	strace $0xD0000000  }
0x3: {  	_ = 	snop  }
0x4: {  	_ = 	snop  }
0x5: {  	_ = 	snop  }
0x6: {  	_ = 	snop  }
0x7: {  	_ = 	snop  }
__scs_overlays_trampoline_lowered:
0x8: {  	[smem:$0x3FAC] =	sst s0  }
0x9: {  	[smem:$0x3FAD] =	sst s1  }
0xa: {  	[smem:$0x3FAE] =	sst s2  }
0xb: {  	[smem:$0x3FAF] =	sst s3  }
0xc: {  	[smem:$0x3FB0] =	sst s4  }
0xd: {  	[smem:$0x3FB1] =	sst s5  }
0xe: {  	[smem:$0x3FB2] =	sst s6  }
0xf: {  	[smem:$0x3FB3] =	sst s7  }
0x10: {  	[smem:$0x3FB4] =	sst s8  }
0x11: {  	[smem:$0x3FB5] =	sst s9;
	s0 =	simm.s32 @!p0 $0x0  }
0x12: {  	s1 =	sld [smem:$0x3F9B];
	s0 =	simm.s32 @p0 $0x1  }
0x13: {  	[smem:$0x3FB6] =	sst s0;
	s0 =	simm.s32 @!p1 $0x0  }
0x14: {  	s2 =	sld [smem:$0x3F9A];
	s0 =	simm.s32 @p1 $0x1  }
0x15: {  	[smem:$0x3FB7] =	sst s0;
	s0 =	simm.s32 @!p2 $0x0  }
0x16: {  	s3 =	sld [smem:$0x3FDB];
	s0 =	simm.s32 @p2 $0x1  }
0x17: {  	s4 =	simm.s32 $0x1BF5;
	[smem:$0x3FB9] =	sst s0  }
0x18: {  	s0 =	sld [smem:$0x3F9C];
	_ =	swait.ge [sflag:s4], $0x0  }
0x19: {  	s7 =	sld [smem:$0x3F9D]  }
0x1a: {  	s8 =	sadd.s32 $0xFFFFE003, lr  }
0x1b: {  	s9 =	sadd.s32 $0xFFFFFEF7, lr;
	s5 =	simm.s32 $0xFFFFFFFF;
	p2 =	slt.u32 s8, $0xFFFFF086  }
0x1c: {  	p1 =	slt.u32 s9, $0xF7A;
	s5 =	simm.s32 @!p2 $0x0  }
0x1d: {  	s5 =	simm.s32 @p1 $0x1;
	p0 =	seq.s32 s7, s2  }
0x1e: {  	s7 =	smul.u32 @!p0 $0xF7A, s2;
	p2 =	seq.s32 @!p0 s5, $0x0  }
0x1f: {  	s9 =	smul.u32 $0xF7A, s1;
	s8 =	simm.s32 @!p0 $0x1BF5;
	p2 =	por !p2, p0  }
0x20: {  	[sflag:s8] =	ssyncset.s32 @!p0 $0xFFFFF086;
	s6 =	sadd.s32 @!p0 s3, s7;
	s7 =	simm.s32 @!p0 $0x108  }
0x21: {  	s3 =	sadd.s32 s3, s9;
	s6 =	sadd.s32 @!p0 $0x88, s6;
	s7 =	simm.s32 @p2 $0x1082  }
0x22: {  	[simem:s7], [sflag:s8] =	dma.local @!p0 [hbm:s6], $0xF7A  }
0x23: {  	s9 =	sor.u32 $0xD0000000, s2;
	s6 =	simm.s32 $0x108;
	_ =	swait.ge @!p0 [sflag:s8], $0x0  }
0x24: {  	s3 =	sadd.s32 $0x88, s3;
	s6 =	simm.s32 @!p1 $0x1082;
	[sflag:s4] =	ssyncset.s32 $0xFFFFF086  }
0x25: {  	[simem:s6], [sflag:s4] =	dma.local [hbm:s3], $0xF7A  }
0x26: {  	[smem:$0x3F9D] =	sst s1;
	(tag) =	ssettag s2;
	_ =	strace s9  }
0x27: {  	s1 =	sld [smem:$0x3FAD]  }
0x28: {  	s2 =	sld [smem:$0x3FAE]  }
0x29: {  	s4 =	sld [smem:$0x3FB0]  }
0x2a: {  	p0 =	seq.s32 s5, $0x0;
	s5 =	sld [smem:$0x3FB1]  }
0x2b: {  	s6 =	sld [smem:$0x3FB2]  }
0x2c: {  	s7 =	sld [smem:$0x3FB3]  }
0x2d: {  	s3 =	simm.s32 $0x108;
	s8 =	sld [smem:$0x3FB4]  }
0x2e: {  	s3 =	simm.s32 @!p0 $0x1082;
	s9 =	sld [smem:$0x3FB5]  }
0x2f: {  	lr =	sadd.s32 s0, s3;
	s0 =	sld [smem:$0x3FAC]  }
0x30: {  	s3 =	sld [smem:$0x3FAF]  }
0x31: {  	[smem:$0x3FB8] =	sst s10  }
0x32: {  	s10 =	sld [smem:$0x3FB6];
	_ =	sdelay $0x3  }
0x33: {  	p0 =	seq.s32 s10, $0x1;
	s10 =	sld [smem:$0x3FB8];
	_ =	sdelay $0x3  }
0x34: {  	[smem:$0x3FB8] =	sst s10  }
0x35: {  	s10 =	sld [smem:$0x3FB7];
	_ =	sdelay $0x3  }
0x36: {  	p1 =	seq.s32 s10, $0x1;
	s10 =	sld [smem:$0x3FB8];
	_ =	sdelay $0x3  }
0x37: {  	[smem:$0x3FB8] =	sst s10  }
0x38: {  	s10 =	sld [smem:$0x3FB9]  }
0x39: {  	_ = 	snop;
	(pc) =	sbr.ind lr, $3  }
0x3a: {  	_ = 	snop  }
0x3b: {  	_ = 	snop  }
0x3c: {  	p2 =	seq.s32 s10, $0x1;
	s10 =	sld [smem:$0x3FB8]  }
0x3d: {  	_ =	shalt  }
0x3e: {  	_ =	shalt  }
0x3f: {  	_ =	shalt  }
0x40: {  	_ =	shalt  }
0x41: {  	_ =	shalt  }
0x42: {  	_ =	shalt  }
0x43: {  	_ =	shalt  }
0x44: {  	_ =	shalt  }
0x45: {  	_ =	shalt  }
0x46: {  	_ =	shalt  }
0x47: {  	_ =	shalt  }
0x48: {  	_ =	shalt  }
0x49: {  	_ =	shalt  }
0x4a: {  	_ =	shalt  }
0x4b: {  	_ =	shalt  }
0x4c: {  	_ =	shalt  }
0x4d: {  	_ =	shalt  }
0x4e: {  	_ =	shalt  }
0x4f: {  	_ =	shalt  }
0x50: {  	_ =	shalt  }
0x51: {  	_ =	shalt  }
0x52: {  	_ =	shalt  }
0x53: {  	_ =	shalt  }
0x54: {  	_ =	shalt  }
0x55: {  	_ =	shalt  }
0x56: {  	_ =	shalt  }
0x57: {  	_ =	shalt  }
0x58: {  	_ =	shalt  }
0x59: {  	_ =	shalt  }
0x5a: {  	_ =	shalt  }
0x5b: {  	_ =	shalt  }
0x5c: {  	_ =	shalt  }
0x5d: {  	_ =	shalt  }
0x5e: {  	_ =	shalt  }
0x5f: {  	_ =	shalt  }
0x60: {  	_ =	shalt  }
0x61: {  	_ =	shalt  }
0x62: {  	_ =	shalt  }
0x63: {  	_ =	shalt  }
0x64: {  	_ =	shalt  }
0x65: {  	_ =	shalt  }
0x66: {  	_ =	shalt  }
0x67: {  	_ =	shalt  }
0x68: {  	_ =	shalt  }
0x69: {  	_ =	shalt  }
0x6a: {  	_ =	shalt  }
0x6b: {  	_ =	shalt  }
0x6c: {  	_ =	shalt  }
0x6d: {  	_ =	shalt  }
0x6e: {  	_ =	shalt  }
0x6f: {  	_ =	shalt  }
0x70: {  	_ =	shalt  }
0x71: {  	_ =	shalt  }
0x72: {  	_ =	shalt  }
0x73: {  	_ =	shalt  }
0x74: {  	_ =	shalt  }
0x75: {  	_ =	shalt  }
0x76: {  	_ =	shalt  }
0x77: {  	_ =	shalt  }
0x78: {  	_ =	shalt  }
0x79: {  	_ =	shalt  }
0x7a: {  	_ =	shalt  }
0x7b: {  	_ =	shalt  }
0x7c: {  	_ =	shalt  }
0x7d: {  	_ =	shalt  }
0x7e: {  	_ =	shalt  }
0x7f: {  	_ =	shalt  }
0x80: {  	_ =	shalt  }
0x81: {  	_ =	shalt  }
0x82: {  	_ =	shalt  }
0x83: {  	_ =	shalt  }
0x84: {  	_ =	shalt  }
0x85: {  	_ =	shalt  }
0x86: {  	_ =	shalt  }
0x87: {  	_ =	shalt  }
.Lfunc_end0:
.L_simem_size_0:
called_computation.1_lowered:
.L_overlay_start_0:
0x88: {  	s2 =	sld [smem:$0x3FD9]  }
0x89: {  	s3 =	sld [smem:$0x3FFE];
	_ =	sdelay $0x1  }
0x8a: {  	s1 =	srdreg.scid  }
0x8b: {  	s0 =	sand.u32 $0x1, s1  }
0x8c: {  	s17 =	sshll.u32 s0, $0xA;
	s2 =	sadd.s32 s3, s2  }
0x8d: {  	s2 =	sadd.s32 s2, s17  }
0x8e: {  	[smem:$0x3FC4] =	sst s2  }
0x8f: {  	_ = 	snop  }
0x90: {  	s2 =	sld [smem:$0x3FD0];
	(tm) =	ssettm $0x1  }
0x91: {  	s18 =	sld [smem:$0x3FFB];
	_ =	sdelay $0x3  }
0x92: {  	_ =	strace s18  }
0x93: {  	s3 =	sld [smem:$0x3FFC];
	_ =	sdelay $0x3  }
0x94: {  	_ =	strace s3  }
0x95: {  	s3 =	sld [smem:$0x3FFD];
	_ =	sdelay $0x3  }
0x96: {  	_ =	strace s3  }
0x97: {  	_ =	strace $0x8FFFFFFF  }
0x98: {  	s19 =	sld [smem:$0x3FDB];
	_ =	sdelay $0x1  }
0x99: {  	s4 =	simm.s32 $_scs_section_size  }
0x9a: {  	s5 =	simm.s32 $_size__tile_overlayer_lowered;
	s6 =	simm.s32 $_tile_overlayer_lowered  }
0x9b: {  	s22 =	simm.s32 $0x1BFF;
	s21 =	sshll.u32 s6, $0x1;
	s3 =	sadd.s32 s4, s19  }
0x9c: {  	s7 =	simm.s32 $0x0;
	s20 =	sshll.u32 s5, $0x1;
	s5 =	sadd.s32 s21, s3  }
0x9d: {  	[timem:s7], [sflag:s22] =	dma.local [hbm:s5], s20  }
0x9e: {  	_ =	swait.ge [sflag:s22], s20  }
0x9f: {  	s4 =	ssub.s32 $0x0, s20;
	[sflag:s22] =	ssyncset.done $0x0  }
0xa0: {  	[sflag:s22] =	ssyncadd.s32 s4;
	_ =	sdelay $0x1  }
0xa1: {  	s23 =	simm.s32 $0x1B8B  }
0xa2: {  	_ =	swait.ge [sflag:s23], $0x1  }
0xa3: {  	[sflag:s23] =	ssyncset.done $0x0  }
0xa4: {  	s25 =	simm.s32 $0x1B8E;
	s24 =	sld [smem:$0x3FFE];
	[sflag:s23] =	ssyncadd.s32 $0xFFFFFFFF  }
0xa5: {  	s26 =	simm.s32 $execute0_lowered;
	[smem:$0x3FD2] =	sst s25  }
0xa6: {  	s5 =	sshll.u32 s26, $0x1;
	_ =	strace $0x80000049;
	[dreg:$0x1] =	wrdreg $0xFFFFFFFF  }
0xa7: {  	s28 =	simm.s32 $_size_execute0_lowered;
	s3 =	sadd.s32 s3, s5;
	[dreg:$0x0] =	wrdreg $0x0  }
0xa8: {  	s5 =	sshll.u32 s28, $0x1;
	[dreg:$0x2] =	wrdreg s3  }
0xa9: {  	[dreg:$0x3] =	wrdreg s5  }
0xaa: {  	[dreg:$0x4] =	wrdreg $0xC0  }
0xab: {  	_ =	task [dreg:s7], $0x5FFFF  }
0xac: {  	[dreg:$0x1] =	wrdreg $0xFFFFFFFF  }
0xad: {  	[dreg:$0x0] =	wrdreg $0x60  }
0xae: {  	[dreg:$0x2] =	wrdreg s24  }
0xaf: {  	[dreg:$0x3] =	wrdreg s2  }
0xb0: {  	[dreg:$0x4] =	wrdreg $0xA2800  }
0xb1: {  	[dreg:$0x5] =	wrdreg $0x9  }
0xb2: {  	_ =	task.clear_ibuf [dreg:s7], $0x6FFFF;
	_ =	strace $0x90000049  }
0xb3: {  	s29 =	simm.s32 $0x9;
	_ =	strace $0x8000004B  }
0xb4: {  	_ =	swait.ge [sflag:s29], $0x1  }
0xb5: {  	[sflag:s29] =	ssyncadd.s32 $0xFFFFFFFF  }
0xb6: {  	_ =	strace $0x9000004B  }
0xb7: {  	_ =	sfence  }
0xb8: {  	s30 =	sld [smem:$0x0];
	_ =	sdelay $0x2  }
0xb9: {  	s31 =	sshll.u32 s1, $0xD;
	s1 =	sshrl.u32 s1, $0x2  }
0xba: {  	s3 =	sand.u32 $0x4000, s31;
	s1 =	sadd.s32 s1, s30  }
0xbb: {  	s0 =	sor.u32 s3, s0;
	s1 =	sshll.u32 s1, $0x11  }
0xbc: {  	s0 =	sor.u32 s1, s0  }
0xbd: {  	s0 =	sadd.s32 $0x8F2B, s0  }
0xbe: {  	[sflag:s0] =	ssyncadd.remote.s32 $0x1  }
0xbf: {  	_ =	sfence.sel $0xFFFF  }
0xc0: {  	[dreg:$0x0] =	wrdreg $0xFFFFFFFF;
	(pc) =	sbr.abs _section_cstart, $3  }
0xc1: {  	[dreg:$0x1] =	wrdreg $0xFFFFFFFF  }
0xc2: {  	_ =	task.clear_ibuf [dreg:s7], $0x2FFFF;
	_ =	strace $0x9FFFFFFF  }
0xc3: {  	(tm) =	ssettm $0x7FFFFFFF  }
tec
execute0_lowered:
.L_overlay_start_1:
0x0: {  	(tag) =	ssettag $0x1  }
0x1: {  	s1 =	rddreg [dreg:$0x0]  }
0x2: {  	s9 =	rddreg [dreg:$0x1]  }
0x3: {  	s0 =	srdreg.scid;
	s2 =	rddreg [dreg:$0x2];
	s14 =	simm.s32 $0x34C00  }
0x4: {  	s15 =	simm.s32 $0x2780;
	s16 =	simm.s32 $0x2A80;
	s17 =	simm.s32 $0x2800  }
0x5: {  	s18 =	simm.s32 $0x5280;
	s19 =	simm.s32 $0x1;
	s20 =	simm.s32 $0x2880  }
0x6: {  	s21 =	simm.s32 $0x7A80;
	s22 =	simm.s32 $0x2900;
	s23 =	simm.s32 $0x2  }
0x7: {  	s24 =	simm.s32 $0x2980;
	s8 =	sand.u32 $0x1, s0;
	s0 =	stileid.u32  }
0x8: {  	s28 =	simm.s32 $0x0;
	s3 =	sshll.u32 s8, $0x4;
	s7 =	smul.u32 $0x50000, s0  }
0x9: {  	s25 =	sshll.u32 s0, $0x7;
	s26 =	ssub.s32 $0x2, s8;
	s11 =	smul.u32 $0x2800, s0  }
0xa: {  	p0 =	seq.s32 s8, $0x0;
	s31 =	sshll.u32 s0, $0x6;
	s3 =	sor.u32 s0, s3  }
0xb: {  	s6 =	sand.u32 $0x380, s25;
	s29 =	sshrl.u32 s26, $0x1;
	s14 =	simm.s32 @!p0 $0x5CC00  }
0xc: {  	p0 =	sne.s32 s8, $0x0;
	s25 =	simm.s32 $0x3;
	s4 =	sshrl.u32 s3, $0x3  }
0xd: {  	s3 =	simm.s32 $0x0;
	s12 =	ssub.s32 s26, s29;
	s5 =	smul.u32 $0x13C00, s4  }
0xe: {  	s30 =	sshrl.u32 s7, $0x2;
	s26 =	simm.s32 $0x2A00;
	[smem:$0x7FF] =	sst s3  }
0xf: {  	s4 =	sadd.s32 $0xCC00, s1;
	s13 =	sadd.s32 s30, s2;
	s5 =	sor.u32 s6, s5  }
0x10: {  	s7 =	smax.u32 s12, $0x1;
	s12 =	simm.s32 $0x80;
	s5 =	sshrl.u32 s5, $0x3  }
0x11: {  	_ =	strace $0x8000004A;
	s10 =	sadd.s32 s5, s1;
	s5 =	sadd.s32 s4, s11  }
0x12: {  	s1 =	sadd.s32 s14, s1;
	s14 =	simm.s32 $0x50;
	s6 =	sadd.s32 $0x2E00, s10  }
0x13: {  	s8 =	sadd.s32 s1, s11;
	s5 =	smov.u32 @p0 s9;
	s9 =	sor.u32 $0x1C04, s31  }
0x14: {  	s10 =	sshrl.u32 s13, $0x3;
	s11 =	simm.s32 $0x4;
	s13 =	simm.s32 $0x400  }
.LBB2_1:
0x15: {  	[spmem:s10], [sflag:s9] =	dma.local [hbm:s5], $0x2800  }
0x16: {  	_ =	swait.ge [sflag:s11], $0x2800  }
0x17: {  	[sflag:s11] =	ssyncset.done $0x0  }
0x18: {  	[sflag:s11] =	ssyncadd.s32 $0xFFFFD800  }
0x19: {  	[tilespmem:s3], [sflag:$0x4] =	stream.strided.gather [hbm4b:s6+s12], $0x2780, s13, s12, $0x38;
	[tilespmem:$0x1E280] =	vst v63  }
0x1a: {  	_ =	swait.ge [sflag:s11], $0x2780  }
0x1b: {  	[sflag:s11] =	ssyncset.done $0x0  }
0x1c: {  	[sflag:s11] =	ssyncadd.s32 $0xFFFFD880  }
0x1d: {  	[bflag:$0x0] =	sbarrier.arrive $0xFFFF  }
0x1e: {  	v0 =	vld [tilespmem:$0x0];
	_ =	sdelay $0x1  }
0x1f: {  	v1 =	vld [tilespmem:$0x10];
	_ =	sdelay $0x1  }
0x20: {  	v2 =	vld [tilespmem:$0x20]  }
0x21: {  	v3 =	vshrl.u32 v0, $0xE  }
0x22: {  	v0 =	vand.u32 $0x3FFF, v0;
	[tilespmem:$0x2780] =	vst v3;
	v3 =	vld [tilespmem:$0x30]  }
0x23: {  	[tilespmem:$0x2900] =	vst v0;
	v0 =	vshrl.u32 v1, $0xE  }
0x24: {  	[tilespmem:$0x2790] =	vst v0;
	v0 =	vand.u32 $0x3FFF, v1;
	v1 =	vld [tilespmem:$0x40]  }
0x25: {  	[tilespmem:$0x2910] =	vst v0;
	v0 =	vshrl.u32 v2, $0xE  }
0x26: {  	[tilespmem:$0x27A0] =	vst v0;
	v0 =	vand.u32 $0x3FFF, v2  }
0x27: {  	[tilespmem:$0x2920] =	vst v0;
	v0 =	vshrl.u32 v3, $0xE  }
0x28: {  	[tilespmem:$0x27B0] =	vst v0;
	v0 =	vand.u32 $0x3FFF, v3  }
0x29: {  	[tilespmem:$0x2930] =	vst v0;
	v0 =	vshrl.u32 v1, $0xE  }
0x2a: {  	[tilespmem:$0x27C0] =	vst v0;
	v0 =	vand.u32 $0x3FFF, v1  }
0x2b: {  	[tilespmem:$0x2940] =	vst v0  }
0x2c: {  	[tilespmem:s16], [sflag:$0x1] =	stream.indirect.gather [hbm4b:s4+s14], $0x80, s15, s14, $0xb8;
	[tilespmem:$0x1E280] =	vst v63  }
0x2d: {  	v0 =	vld [tilespmem:$0x50];
	_ =	sdelay $0x1  }
0x2e: {  	v1 =	vld [tilespmem:$0x60];
	_ =	sdelay $0x1  }
0x2f: {  	v2 =	vld [tilespmem:$0x70]  }
0x30: {  	v3 =	vshrl.u32 v0, $0xE  }
0x31: {  	v0 =	vand.u32 $0x3FFF, v0;
	[tilespmem:$0x2800] =	vst v3;
	v3 =	vld [tilespmem:$0x80]  }
0x32: {  	[tilespmem:$0x2980] =	vst v0;
	v0 =	vshrl.u32 v1, $0xE  }
0x33: {  	[tilespmem:$0x2810] =	vst v0;
	v0 =	vand.u32 $0x3FFF, v1;
	v1 =	vld [tilespmem:$0x90]  }
0x34: {  	[tilespmem:$0x2990] =	vst v0;
	v0 =	vshrl.u32 v2, $0xE  }
0x35: {  	[tilespmem:$0x2820] =	vst v0;
	v0 =	vand.u32 $0x3FFF, v2  }
0x36: {  	[tilespmem:$0x29A0] =	vst v0;
	v0 =	vshrl.u32 v3, $0xE  }
0x37: {  	[tilespmem:$0x2830] =	vst v0;
	v0 =	vand.u32 $0x3FFF, v3  }
0x38: {  	[tilespmem:$0x29B0] =	vst v0;
	v0 =	vshrl.u32 v1, $0xE  }
0x39: {  	[tilespmem:$0x2840] =	vst v0;
	v0 =	vand.u32 $0x3FFF, v1  }
0x3a: {  	[tilespmem:$0x29C0] =	vst v0  }
0x3b: {  	[tilespmem:s18], [sflag:$0x2] =	stream.indirect.gather [hbm4b:s4+s14], $0x80, s17, s14, $0xb8;
	[tilespmem:$0x1E280] =	vst v63  }
0x3c: {  	_ =	swait.ge [sflag:s19], $0x2800  }
0x3d: {  	[sflag:s19] =	ssyncset.done $0x0  }
0x3e: {  	s29 =	simm.s32 $0xC0;
	[sflag:s19] =	ssyncadd.s32 $0xFFFFD800  }
0x3f: {  	v0 =	vld [tilespmem:s29+$0xFFFFFFE0];
	_ =	sdelay $0x4  }
0x40: {  	v1 =	vshrl.u32 v0, $0xE  }
0x41: {  	v0 =	vand.u32 $0x3FFF, v0;
	[tilespmem:$0x2880] =	vst v1  }
0x42: {  	[tilespmem:$0x2A00] =	vst v0  }
0x43: {  	v0 =	vld [tilespmem:s29+$0xFFFFFFF0];
	_ =	sdelay $0x4  }
0x44: {  	v1 =	vshrl.u32 v0, $0xE  }
0x45: {  	v0 =	vand.u32 $0x3FFF, v0;
	[tilespmem:$0x2890] =	vst v1  }
0x46: {  	[tilespmem:$0x2A10] =	vst v0  }
0x47: {  	v0 =	vld [tilespmem:s29+$0x0];
	_ =	sdelay $0x4  }
0x48: {  	v1 =	vshrl.u32 v0, $0xE  }
0x49: {  	v0 =	vand.u32 $0x3FFF, v0;
	[tilespmem:$0x28A0] =	vst v1  }
0x4a: {  	[tilespmem:$0x2A20] =	vst v0  }
0x4b: {  	v0 =	vld [tilespmem:s29+$0x10];
	_ =	sdelay $0x4  }
0x4c: {  	v1 =	vshrl.u32 v0, $0xE  }
0x4d: {  	v0 =	vand.u32 $0x3FFF, v0;
	[tilespmem:$0x28B0] =	vst v1  }
0x4e: {  	[tilespmem:$0x2A30] =	vst v0  }
0x4f: {  	v0 =	vld [tilespmem:s29+$0x20];
	_ =	sdelay $0x4  }
0x50: {  	v1 =	vshrl.u32 v0, $0xE  }
0x51: {  	v0 =	vand.u32 $0x3FFF, v0;
	[tilespmem:$0x28C0] =	vst v1  }
0x52: {  	[tilespmem:$0x2A40] =	vst v0  }
0x53: {  	[tilespmem:s21], [sflag:$0x3] =	stream.indirect.gather [hbm4b:s4+s14], $0x80, s20, s14, $0xb8;
	[tilespmem:$0x1E280] =	vst v63  }
0x54: {  	_ = 	snop  }
0x55: {  	[spmem:s2] =	stream.indirect.scatter.add.f32 [tilespmem:s16], [sflag:$0x4], $0x80, s22, s14, $0xb8;
	[tilespmem:$0x1E280] =	vst v63  }
0x56: {  	_ =	swait.ge [sflag:s11], $0x2800  }
0x57: {  	[sflag:s11] =	ssyncset.done $0x0  }
0x58: {  	[sflag:s11] =	ssyncadd.s32 $0xFFFFD800  }
0x59: {  	_ =	swait.ge [sflag:s23], $0x2800  }
0x5a: {  	[sflag:s23] =	ssyncset.done $0x0  }
0x5b: {  	[sflag:s23] =	ssyncadd.s32 $0xFFFFD800  }
0x5c: {  	v0 =	vld [tilespmem:s29+$0x30];
	_ =	sdelay $0x4  }
0x5d: {  	v1 =	vshrl.u32 v0, $0xE  }
0x5e: {  	v0 =	vand.u32 $0x3FFF, v0;
	[tilespmem:$0x2780] =	vst v1  }
0x5f: {  	s31 =	sand.u32 $0x3FF0, s3;
	[tilespmem:$0x2900] =	vst v0  }
0x60: {  	v0 =	vld [tilespmem:s31+$0x100];
	_ =	sdelay $0x4  }
0x61: {  	v1 =	vshrl.u32 v0, $0xE  }
0x62: {  	v0 =	vand.u32 $0x3FFF, v0;
	[tilespmem:$0x2790] =	vst v1  }
0x63: {  	[tilespmem:$0x2910] =	vst v0  }
0x64: {  	v0 =	vld [tilespmem:s29+$0x50];
	_ =	sdelay $0x4  }
0x65: {  	v1 =	vshrl.u32 v0, $0xE  }
0x66: {  	v0 =	vand.u32 $0x3FFF, v0;
	[tilespmem:$0x27A0] =	vst v1  }
0x67: {  	[tilespmem:$0x2920] =	vst v0  }
0x68: {  	v0 =	vld [tilespmem:s29+$0x60];
	_ =	sdelay $0x4  }
0x69: {  	v1 =	vshrl.u32 v0, $0xE  }
0x6a: {  	v0 =	vand.u32 $0x3FFF, v0;
	[tilespmem:$0x27B0] =	vst v1  }
0x6b: {  	[tilespmem:$0x2930] =	vst v0  }
0x6c: {  	v0 =	vld [tilespmem:s29+$0x70];
	_ =	sdelay $0x4  }
0x6d: {  	v1 =	vshrl.u32 v0, $0xE  }
0x6e: {  	v0 =	vand.u32 $0x3FFF, v0;
	[tilespmem:$0x27C0] =	vst v1  }
0x6f: {  	[tilespmem:$0x2940] =	vst v0  }
0x70: {  	[tilespmem:s16], [sflag:$0x1] =	stream.indirect.gather [hbm4b:s4+s14], $0x80, s15, s14, $0xb8;
	[tilespmem:$0x1E280] =	vst v63  }
0x71: {  	_ = 	snop  }
0x72: {  	[spmem:s2] =	stream.indirect.scatter.add.f32 [tilespmem:s18], [sflag:$0x4], $0x80, s24, s14, $0xb8;
	[tilespmem:$0x1E280] =	vst v63  }
0x73: {  	_ =	swait.ge [sflag:s11], $0x2800  }
0x74: {  	[sflag:s11] =	ssyncset.done $0x0  }
0x75: {  	[sflag:s11] =	ssyncadd.s32 $0xFFFFD800  }
0x76: {  	_ =	swait.ge [sflag:s25], $0x2800  }
0x77: {  	[sflag:s25] =	ssyncset.done $0x0  }
0x78: {  	[sflag:s25] =	ssyncadd.s32 $0xFFFFD800  }
0x79: {  	v0 =	vld [tilespmem:s29+$0x80];
	_ =	sdelay $0x4  }
0x7a: {  	v1 =	vshrl.u32 v0, $0xE  }
0x7b: {  	v0 =	vand.u32 $0x3FFF, v0;
	[tilespmem:$0x2800] =	vst v1  }
0x7c: {  	[tilespmem:$0x2980] =	vst v0  }
0x7d: {  	v0 =	vld [tilespmem:s29+$0x90];
	_ =	sdelay $0x4  }
0x7e: {  	v1 =	vshrl.u32 v0, $0xE  }
0x7f: {  	v0 =	vand.u32 $0x3FFF, v0;
	[tilespmem:$0x2810] =	vst v1  }
0x80: {  	[tilespmem:$0x2990] =	vst v0  }
0x81: {  	v0 =	vld [tilespmem:s29+$0xA0];
	_ =	sdelay $0x4  }
0x82: {  	v1 =	vshrl.u32 v0, $0xE  }
0x83: {  	v0 =	vand.u32 $0x3FFF, v0;
	[tilespmem:$0x2820] =	vst v1  }
0x84: {  	[tilespmem:$0x29A0] =	vst v0  }
0x85: {  	v0 =	vld [tilespmem:s29+$0xB0];
	_ =	sdelay $0x4  }
0x86: {  	s30 =	simm.s32 $0xF0;
	v1 =	vshrl.u32 v0, $0xE;
	v0 =	vand.u32 $0x3FFF, v0  }
.LBB2_2:
0x87: {  	p0 =	sne.s32 s30, $0x2580  }
0x88: {  	[tilespmem:$0x2830] =	vst v1;
	s29 =	sadd.s32 $0xF0, s29;
	s1 =	smov.u32 s30;
	s30 =	sadd.s32 $0xF0, s30  }
0x89: {  	[tilespmem:$0x29B0] =	vst v0  }
0x8a: {  	v0 =	vld [tilespmem:s31+$0x180];
	_ =	sdelay $0x4  }
0x8b: {  	v1 =	vshrl.u32 v0, $0xE;
	v0 =	vand.u32 $0x3FFF, v0  }
0x8c: {  	[tilespmem:$0x2840] =	vst v1  }
0x8d: {  	[tilespmem:$0x29C0] =	vst v0  }
0x8e: {  	[tilespmem:s18], [sflag:$0x2] =	stream.indirect.gather [hbm4b:s4+s14], $0x80, s17, s14, $0xb8;
	[tilespmem:$0x1E280] =	vst v63  }
0x8f: {  	_ = 	snop  }
0x90: {  	[spmem:s2] =	stream.indirect.scatter.add.f32 [tilespmem:s21], [sflag:$0x4], $0x80, s26, s14, $0xb8;
	[tilespmem:$0x1E280] =	vst v63  }
0x91: {  	_ =	swait.ge [sflag:s11], $0x2800  }
0x92: {  	[sflag:s11] =	ssyncset.done $0x0  }
0x93: {  	[sflag:s11] =	ssyncadd.s32 $0xFFFFD800  }
0x94: {  	_ =	swait.ge [sflag:s19], $0x2800  }
0x95: {  	[sflag:s19] =	ssyncset.done $0x0  }
0x96: {  	[sflag:s19] =	ssyncadd.s32 $0xFFFFD800  }
0x97: {  	v0 =	vld [tilespmem:s29+$0xFFFFFFE0];
	_ =	sdelay $0x4  }
0x98: {  	v1 =	vshrl.u32 v0, $0xE;
	v0 =	vand.u32 $0x3FFF, v0  }
0x99: {  	[tilespmem:$0x2880] =	vst v1  }
0x9a: {  	[tilespmem:$0x2A00] =	vst v0  }
0x9b: {  	v0 =	vld [tilespmem:s29+$0xFFFFFFF0];
	_ =	sdelay $0x4  }
0x9c: {  	v1 =	vshrl.u32 v0, $0xE;
	v0 =	vand.u32 $0x3FFF, v0  }
0x9d: {  	[tilespmem:$0x2890] =	vst v1  }
0x9e: {  	[tilespmem:$0x2A10] =	vst v0  }
0x9f: {  	v0 =	vld [tilespmem:s29+$0x0];
	_ =	sdelay $0x4  }
0xa0: {  	v1 =	vshrl.u32 v0, $0xE;
	v0 =	vand.u32 $0x3FFF, v0  }
0xa1: {  	[tilespmem:$0x28A0] =	vst v1  }
0xa2: {  	[tilespmem:$0x2A20] =	vst v0  }
0xa3: {  	v0 =	vld [tilespmem:s29+$0x10];
	_ =	sdelay $0x4  }
0xa4: {  	v1 =	vshrl.u32 v0, $0xE;
	v0 =	vand.u32 $0x3FFF, v0  }
0xa5: {  	[tilespmem:$0x28B0] =	vst v1  }
0xa6: {  	[tilespmem:$0x2A30] =	vst v0  }
0xa7: {  	v0 =	vld [tilespmem:s29+$0x20];
	_ =	sdelay $0x4  }
0xa8: {  	v1 =	vshrl.u32 v0, $0xE;
	v0 =	vand.u32 $0x3FFF, v0  }
0xa9: {  	[tilespmem:$0x28C0] =	vst v1  }
0xaa: {  	[tilespmem:$0x2A40] =	vst v0  }
0xab: {  	[tilespmem:s21], [sflag:$0x3] =	stream.indirect.gather [hbm4b:s4+s14], $0x80, s20, s14, $0xb8;
	[tilespmem:$0x1E280] =	vst v63  }
0xac: {  	_ = 	snop  }
0xad: {  	[spmem:s2] =	stream.indirect.scatter.add.f32 [tilespmem:s16], [sflag:$0x4], $0x80, s22, s14, $0xb8;
	[tilespmem:$0x1E280] =	vst v63  }
0xae: {  	_ =	swait.ge [sflag:s11], $0x2800  }
0xaf: {  	[sflag:s11] =	ssyncset.done $0x0  }
0xb0: {  	[sflag:s11] =	ssyncadd.s32 $0xFFFFD800  }
0xb1: {  	_ =	swait.ge [sflag:s23], $0x2800  }
0xb2: {  	[sflag:s23] =	ssyncset.done $0x0  }
0xb3: {  	[sflag:s23] =	ssyncadd.s32 $0xFFFFD800  }
0xb4: {  	v0 =	vld [tilespmem:s29+$0x30]  }
0xb5: {  	s31 =	sand.u32 $0x3FF0, s1;
	_ =	sdelay $0x3  }
0xb6: {  	v1 =	vshrl.u32 v0, $0xE;
	v0 =	vand.u32 $0x3FFF, v0  }
0xb7: {  	[tilespmem:$0x2780] =	vst v1  }
0xb8: {  	[tilespmem:$0x2900] =	vst v0  }
0xb9: {  	v0 =	vld [tilespmem:s31+$0x100];
	_ =	sdelay $0x4  }
0xba: {  	v1 =	vshrl.u32 v0, $0xE;
	v0 =	vand.u32 $0x3FFF, v0  }
0xbb: {  	[tilespmem:$0x2790] =	vst v1  }
0xbc: {  	[tilespmem:$0x2910] =	vst v0  }
0xbd: {  	v0 =	vld [tilespmem:s29+$0x50];
	_ =	sdelay $0x4  }
0xbe: {  	v1 =	vshrl.u32 v0, $0xE;
	v0 =	vand.u32 $0x3FFF, v0  }
0xbf: {  	[tilespmem:$0x27A0] =	vst v1  }
0xc0: {  	[tilespmem:$0x2920] =	vst v0  }
0xc1: {  	v0 =	vld [tilespmem:s29+$0x60];
	_ =	sdelay $0x4  }
0xc2: {  	v1 =	vshrl.u32 v0, $0xE;
	v0 =	vand.u32 $0x3FFF, v0  }
0xc3: {  	[tilespmem:$0x27B0] =	vst v1  }
0xc4: {  	[tilespmem:$0x2930] =	vst v0  }
0xc5: {  	v0 =	vld [tilespmem:s29+$0x70];
	_ =	sdelay $0x4  }
0xc6: {  	v1 =	vshrl.u32 v0, $0xE;
	v0 =	vand.u32 $0x3FFF, v0  }
0xc7: {  	[tilespmem:$0x27C0] =	vst v1  }
0xc8: {  	[tilespmem:$0x2940] =	vst v0  }
0xc9: {  	[tilespmem:s16], [sflag:$0x1] =	stream.indirect.gather [hbm4b:s4+s14], $0x80, s15, s14, $0xb8;
	[tilespmem:$0x1E280] =	vst v63  }
0xca: {  	_ = 	snop  }
0xcb: {  	[spmem:s2] =	stream.indirect.scatter.add.f32 [tilespmem:s18], [sflag:$0x4], $0x80, s24, s14, $0xb8;
	[tilespmem:$0x1E280] =	vst v63  }
0xcc: {  	_ =	swait.ge [sflag:s11], $0x2800  }
0xcd: {  	[sflag:s11] =	ssyncset.done $0x0  }
0xce: {  	[sflag:s11] =	ssyncadd.s32 $0xFFFFD800  }
0xcf: {  	_ =	swait.ge [sflag:s25], $0x2800  }
0xd0: {  	[sflag:s25] =	ssyncset.done $0x0  }
0xd1: {  	[sflag:s25] =	ssyncadd.s32 $0xFFFFD800  }
0xd2: {  	v0 =	vld [tilespmem:s29+$0x80];
	_ =	sdelay $0x4  }
0xd3: {  	v1 =	vshrl.u32 v0, $0xE;
	v0 =	vand.u32 $0x3FFF, v0  }
0xd4: {  	[tilespmem:$0x2800] =	vst v1  }
0xd5: {  	[tilespmem:$0x2980] =	vst v0  }
0xd6: {  	v0 =	vld [tilespmem:s29+$0x90];
	_ =	sdelay $0x4  }
0xd7: {  	v1 =	vshrl.u32 v0, $0xE;
	v0 =	vand.u32 $0x3FFF, v0  }
0xd8: {  	[tilespmem:$0x2810] =	vst v1  }
0xd9: {  	[tilespmem:$0x2990] =	vst v0  }
0xda: {  	v0 =	vld [tilespmem:s29+$0xA0];
	_ =	sdelay $0x4  }
0xdb: {  	v1 =	vshrl.u32 v0, $0xE;
	v0 =	vand.u32 $0x3FFF, v0  }
0xdc: {  	[tilespmem:$0x2820] =	vst v1  }
0xdd: {  	[tilespmem:$0x29A0] =	vst v0  }
0xde: {  	v0 =	vld [tilespmem:s29+$0xB0]  }
.Ltmp0:
0xdf: {  	(pc) =	sbr.rel @p0 .LBB2_2-.Ltmp0, $2  }
0xe0: {  	_ =	sdelay $0x2  }
0xe1: {  	v1 =	vshrl.u32 v0, $0xE;
	v0 =	vand.u32 $0x3FFF, v0  }
0xe2: {  	[tilespmem:$0x2830] =	vst v1  }
0xe3: {  	[tilespmem:$0x29B0] =	vst v0  }
0xe4: {  	v0 =	vld [tilespmem:s31+$0x180];
	_ =	sdelay $0x4  }
0xe5: {  	v63 =	vshrl.u32 v0, $0xE  }
0xe6: {  	v0 =	vand.u32 $0x3FFF, v0;
	[tilespmem:$0x2840] =	vst v63  }
0xe7: {  	[tilespmem:$0x29C0] =	vst v0  }
0xe8: {  	[tilespmem:s18], [sflag:$0x2] =	stream.indirect.gather [hbm4b:s4+s14], $0x80, s17, s14, $0xb8;
	[tilespmem:$0x1E280] =	vst v63  }
0xe9: {  	_ = 	snop  }
0xea: {  	[spmem:s2] =	stream.indirect.scatter.add.f32 [tilespmem:s21], [sflag:$0x4], $0x80, s26, s14, $0xb8;
	[tilespmem:$0x1E280] =	vst v63  }
0xeb: {  	_ =	swait.ge [sflag:s11], $0x2800  }
0xec: {  	[sflag:s11] =	ssyncset.done $0x0  }
0xed: {  	[sflag:s11] =	ssyncadd.s32 $0xFFFFD800  }
0xee: {  	_ =	swait.ge [sflag:s19], $0x2800  }
0xef: {  	[sflag:s19] =	ssyncset.done $0x0  }
0xf0: {  	[sflag:s19] =	ssyncadd.s32 $0xFFFFD800  }
0xf1: {  	[spmem:s2] =	stream.indirect.scatter.add.f32 [tilespmem:s16], [sflag:$0x4], $0x80, s22, s14, $0xb8;
	[tilespmem:$0x1E280] =	vst v63  }
0xf2: {  	_ =	swait.ge [sflag:s11], $0x2800  }
0xf3: {  	[sflag:s11] =	ssyncset.done $0x0  }
0xf4: {  	[sflag:s11] =	ssyncadd.s32 $0xFFFFD800  }
0xf5: {  	_ =	swait.ge [sflag:s23], $0x2800  }
0xf6: {  	[sflag:s23] =	ssyncset.done $0x0  }
0xf7: {  	[sflag:s23] =	ssyncadd.s32 $0xFFFFD800  }
0xf8: {  	[spmem:s2] =	stream.indirect.scatter.add.f32 [tilespmem:s18], [sflag:$0x4], $0x80, s24, s14, $0xb8;
	[tilespmem:$0x1E280] =	vst v63  }
0xf9: {  	_ =	swait.ge [sflag:s11], $0x2800  }
0xfa: {  	s28 =	sadd.s32 $0x1, s28;
	[sflag:s11] =	ssyncset.done $0x0  }
0xfb: {  	p0 =	sne.s32 s28, s7;
	[sflag:s11] =	ssyncadd.s32 $0xFFFFD800  }
.Ltmp1:
0xfc: {  	[bflag:$0x0] =	sbarrier.arrive $0xFFFF;
	(pc) =	sbr.rel @p0 .LBB2_1-.Ltmp1, $4  }
0xfd: {  	[hbm:s8], [sflag:s9] =	dma.local [spmem:s10], $0x2800  }
0xfe: {  	_ =	swait.ge [sflag:s11], $0x2800  }
0xff: {  	[sflag:s11] =	ssyncset.done $0x0  }
0x100: {  	[sflag:s11] =	ssyncadd.s32 $0xFFFFD800  }
0x101: {  	_ =	sfence.sel $0x180000  }
0x102: {  	[bflag:$0x0] =	sbarrier.arrive $0xFFFF  }
0x103: {  	_ =	strace $0x9000004A  }
0x104: {  	[bflag:$0x2] =	sbarrier.arrive $0xFFFF  }
0x105: {  	p0 =	sne.s32 s0, $0x0;
	s0 =	rddreg [dreg:$0x3]  }
0x106: {  	s0 =	sadd.s32 @!p0 $0x100000, s0  }
0x107: {  	[sflag:s0] =	ssyncadd.tile.s32 @!p0 $0x1;
	_ =	shalt  }
.Lfunc_end2:
_tile_overlayer_lowered:
.L_overlay_start_2:
0x108: {  	(tag) =	ssettag $0x2  }
0x109: {  	s0 =	rddreg [dreg:$0x0];
	s2 =	stileid.u32  }
0x10a: {  	s1 =	rddreg [dreg:$0x1];
	p0 =	sne.s32 s2, $0x0  }
0x10b: {  	s3 =	rddreg [dreg:$0x2];
	[bflag:$0x3] =	sbarrier.arrive $0xFFFF;
	s2 =	simm.s32 @!p0 $0x1C04  }
0x10c: {  	[timem:s3], [sflag:s2] =	dma.local @!p0 [hbm:s0], s1  }
0x10d: {  	s0 =	simm.s32 @!p0 $0x4  }
0x10e: {  	_ =	swait.ge @!p0 [sflag:s0], s1  }
0x10f: {  	s1 =	ssub.s32 @!p0 $0x0, s1;
	[sflag:s0] =	ssyncset.done @!p0 $0x0  }
0x110: {  	[sflag:s0] =	ssyncadd.s32 @!p0 s1  }
0x111: {  	[bflag:$0x3] =	sbarrier.arrive $0xFFFF  }
0x112: {  	_ =	shalt  }

</sc_bundles>
